<compile_context>
chip_gen: v7x
topology: tpu7x:2x2x1
jax: 0.10.2.dev20260603
libtpu: 0.0.44.dev20260713+nightly
codegen_flags: <defaults>
</compile_context>

<pallas_src>
import functools

import jax
import jax.numpy as jnp
from jax import lax
from jax.experimental import pallas as pl
from jax.experimental.pallas import tpu as pltpu
from jax.experimental.pallas import tpu_sc as plsc

N = 50000
E = 800000
PERIODS = 12
HID = 32

NP = 50176
NPT = NP // 16
NW = 32
EA = E + N
ROWS_W = 216
ROWS = ROWS_W * NW
EP = ROWS * 128
KB = 72
NG = ROWS_W // KB
ROWS_T = ROWS // 32

_mesh = plsc.VectorSubcoreMesh(core_axis_name="c", subcore_axis_name="s")


@functools.partial(
    pl.kernel,
    out_type=jax.ShapeDtypeStruct((2 * NP,), jnp.float32),
    mesh=_mesh,
    scratch_types=[
        pltpu.VMEM_SHARED((NP,), jnp.float32),
        pltpu.VMEM((KB, 128), jnp.int32),
        pltpu.VMEM((KB, 128), jnp.float32),
        pltpu.VMEM((NPT,), jnp.float32),
        pltpu.SemaphoreType.DMA,
    ],
    compiler_params=pltpu.CompilerParams(
        needs_layout_passes=False, use_tc_tiling_on_sc=False),
)
def _deg_kernel(dst_hbm, ew_hbm, out_hbm, deg_sh, dstbuf, ewbuf, zbuf, degsem):
    c = lax.axis_index("c")
    s = lax.axis_index("s")
    wid = s * 2 + c
    zero16 = jnp.zeros((16,), jnp.float32)

    def zb(i, _):
        zbuf[pl.ds(i * 16, 16)] = zero16
        return 0

    lax.fori_loop(0, NPT // 16, zb, 0)
    pltpu.sync_copy(zbuf, deg_sh.at[pl.ds(s * NPT, NPT)])
    plsc.subcore_barrier()

    def grp(g, _):
        base = wid * ROWS_T + g * KB
        pltpu.sync_copy(dst_hbm.at[pl.ds(base, KB)], dstbuf)
        pltpu.sync_copy(ew_hbm.at[pl.ds(base, KB)], ewbuf)

        def fire(r, _):
            pltpu.async_copy(ewbuf.at[r], deg_sh.at[dstbuf.at[r]], degsem,
                             add=True)
            return 0

        lax.fori_loop(0, KB, fire, 0)

        def drain(r, _):
            pltpu.make_async_copy(ewbuf.at[r], deg_sh.at[dstbuf.at[r]],
                                  degsem).wait()
            return 0

        lax.fori_loop(0, KB, drain, 0)
        return 0

    lax.fori_loop(0, NG, grp, 0)
    plsc.subcore_barrier()
    off = pl.multiple_of(c * NP + s * NPT, 8)
    pltpu.sync_copy(deg_sh.at[pl.ds(s * NPT, NPT)], zbuf)
    pltpu.sync_copy(zbuf, out_hbm.at[pl.ds(off, NPT)])


def _dinv_body(deg_ref, out_ref):
    out_ref[...] = lax.rsqrt(deg_ref[0] + deg_ref[1])


_dinv_call = pl.pallas_call(
    _dinv_body,
    out_shape=jax.ShapeDtypeStruct((NP // 128, 128), jnp.float32),
)


@functools.partial(
    pl.kernel,
    out_type=jax.ShapeDtypeStruct((2, NP, 16), jnp.float32),
    mesh=_mesh,
    scratch_types=[
        pltpu.VMEM_SHARED((NP, 16), jnp.float32),
        pltpu.VMEM_SHARED((NP,), jnp.float32),
        pltpu.VMEM((KB, 128), jnp.int32),
        pltpu.VMEM((KB, 128), jnp.int32),
        pltpu.VMEM((KB, 128), jnp.float32),
        pltpu.VMEM((4, 128), jnp.float32),
        pltpu.VMEM((4, 128, 16), jnp.float32),
        pltpu.VMEM((2, 128, 16), jnp.float32),
        pltpu.VMEM((784, 16), jnp.float32),
        pltpu.VMEM((NPT // 2,), jnp.float32),
        pltpu.SemaphoreType.DMA((4,)),
        pltpu.SemaphoreType.DMA((4,)),
        pltpu.SemaphoreType.DMA((2,)),
    ],
    compiler_params=pltpu.CompilerParams(
        needs_layout_passes=False, use_tc_tiling_on_sc=False),
)
def _edge_kernel(src_hbm, dst_hbm, ew_hbm, dinv_hbm, x_hbm, out_hbm,
                 s_sh, dinv_sh, srcbuf, dstbuf, ewbuf, dg, xg, xs, zbuf, dbuf,
                 dsem, xsem, ssem):
    c = lax.axis_index("c")
    s = lax.axis_index("s")
    wid = s * 2 + c
    zero16 = jnp.zeros((16,), jnp.float32)

    def zb(i, _):
        zbuf[i, :] = zero16
        return 0

    lax.fori_loop(0, 784, zb, 0)
    for q in range(4):
        pltpu.sync_copy(zbuf, s_sh.at[pl.ds(s * NPT + q * 784, 784), :])
    for q in range(2):
        pltpu.sync_copy(dinv_hbm.at[pl.ds(s * NPT + q * (NPT // 2), NPT // 2)], dbuf)
        pltpu.sync_copy(dbuf, dinv_sh.at[pl.ds(s * NPT + q * (NPT // 2), NPT // 2)])
    plsc.subcore_barrier()

    def _issue_gathers(r, b):
        pltpu.async_copy(dinv_sh.at[srcbuf.at[r]], dg.at[b], dsem.at[b])
        pltpu.async_copy(x_hbm.at[srcbuf.at[r]], xg.at[b], xsem.at[b])

    def grp(g, _):
        base = wid * ROWS_W + g * KB
        pltpu.sync_copy(src_hbm.at[pl.ds(base, KB)], srcbuf)
        pltpu.sync_copy(dst_hbm.at[pl.ds(base, KB)], dstbuf)
        pltpu.sync_copy(ew_hbm.at[pl.ds(base, KB)], ewbuf)
        for r0 in range(4):
            _issue_gathers(r0, r0)

        def row(r, _):
            b = r % 4
            sb = r % 2
            pltpu.make_async_copy(dinv_sh.at[srcbuf.at[r]], dg.at[b],
                                  dsem.at[b]).wait()
            pltpu.make_async_copy(x_hbm.at[srcbuf.at[r]], xg.at[b],
                                  xsem.at[b]).wait()

            @pl.when(r >= 2)
            def _():
                pltpu.make_async_copy(xs.at[sb], s_sh.at[dstbuf.at[r]],
                                      ssem.at[sb]).wait()

            def sc(j, _):
                jb = j * 16
                w16 = dg[b, pl.ds(jb, 16)] * ewbuf[r, pl.ds(jb, 16)]
                for u in range(16):
                    xs[sb, jb + u, :] = xg[b, jb + u, :] * w16[u]
                return 0

            lax.fori_loop(0, 8, sc, 0)
            pltpu.async_copy(xs.at[sb], s_sh.at[dstbuf.at[r]], ssem.at[sb],
                             add=True)

            @pl.when(r + 4 < KB)
            def _():
                _issue_gathers(r + 4, b)

            return 0

        lax.fori_loop(0, KB, row, 0)
        pltpu.make_async_copy(xs.at[0], s_sh.at[dstbuf.at[0]], ssem.at[0]).wait()
        pltpu.make_async_copy(xs.at[1], s_sh.at[dstbuf.at[1]], ssem.at[1]).wait()
        return 0

    lax.fori_loop(0, NG, grp, 0)
    plsc.subcore_barrier()
    for q in range(4):
        pltpu.sync_copy(s_sh.at[pl.ds(s * NPT + q * 784, 784), :], zbuf)
        pltpu.sync_copy(zbuf, out_hbm.at[c, pl.ds(s * NPT + q * 784, 784), :])


BB = 1792
NBLK = NP // BB


def _dense_body(p_ref, st_ref, dinv_ref, out_ref):
    dinv = dinv_ref[...]
    sfull = dinv * (st_ref[0] + st_ref[1])
    az = p_ref[0, :].reshape(HID, 1)
    cz = p_ref[1, :].reshape(HID, 1)
    ah = p_ref[2, :].reshape(HID, 1)
    ch = p_ref[3, :].reshape(HID, 1)
    wl = p_ref[4, :].reshape(HID, 1)
    acc = jnp.zeros((HID, BB), jnp.float32)
    for p in range(PERIODS):
        sp = sfull[p:p + 1, :]
        z = jax.nn.sigmoid(az * sp + cz)
        ht = jnp.tanh(ah * sp + ch)
        acc = acc + p_ref[5, p] * ((1.0 - z) * ht)
    h = jnp.maximum(acc, 0.0)
    out_ref[...] = jnp.sum(h * wl, axis=0, keepdims=True) + p_ref[6, 0]


_dense_call = pl.pallas_call(
    _dense_body,
    grid=(NBLK,),
    in_specs=[
        pl.BlockSpec((8, HID), lambda i: (0, 0)),
        pl.BlockSpec((2, 16, BB), lambda i: (0, 0, i)),
        pl.BlockSpec((1, BB), lambda i: (0, i)),
    ],
    out_specs=pl.BlockSpec((1, BB), lambda i: (0, i)),
    out_shape=jax.ShapeDtypeStruct((1, NP), jnp.float32),
)


def kernel(x, edge_index, edge_weight, Wcz, bcz, Wcr, bcr, Wch, bch,
           Wlz, blz, Wlr, blr, Wlh, blh, att, Wlin, blin):
    src = edge_index[0]
    dst = edge_index[1]
    pad = EP - EA
    loop = jnp.arange(N, dtype=jnp.int32)
    src_p = jnp.concatenate([src, loop, jnp.zeros((pad,), jnp.int32)])
    dst_p = jnp.concatenate([dst, loop,
                             (jnp.arange(pad, dtype=jnp.int32) * 41) % N])
    ew_p = jnp.concatenate([edge_weight, jnp.ones((N,), jnp.float32),
                            jnp.zeros((pad,), jnp.float32)])
    src2 = src_p.reshape(ROWS, 128)
    dst2 = dst_p.reshape(ROWS, 128)
    ew2 = ew_p.reshape(ROWS, 128)
    x_pad = jnp.pad(x, ((0, NP - N), (0, 16 - PERIODS)))

    deg2 = _deg_kernel(dst2, ew2)
    dinv = _dinv_call(deg2.reshape(2, NP // 128, 128)).reshape(NP)
    s2 = _edge_kernel(src2, dst2, ew2, dinv, x_pad)

    hp = jax.lax.Precision.HIGHEST
    wlz_t = Wlz[:HID]
    wlh_t = Wlh[:HID]
    az = jnp.matmul(Wcz, wlz_t, precision=hp)[0]
    cz = jnp.matmul(bcz.reshape(1, HID), wlz_t, precision=hp)[0] + blz
    ah = jnp.matmul(Wch, wlh_t, precision=hp)[0]
    ch = jnp.matmul(bch.reshape(1, HID), wlh_t, precision=hp)[0] + blh
    probs = jax.nn.softmax(att)
    params = jnp.stack([
        az, cz, ah, ch, Wlin[:, 0],
        jnp.pad(probs, (0, HID - PERIODS)),
        jnp.full((HID,), blin[0], jnp.float32),
        jnp.zeros((HID,), jnp.float32),
    ]).astype(jnp.float32)

    st2 = jnp.transpose(s2, (0, 2, 1))
    out_t = _dense_call(params, st2, dinv.reshape(1, NP))
    return out_t[0, :N].reshape(N, 1)

# --- scband reference (transcript-rebuilt; emitter-appended) ---
"""Pipeline reference for scband-a3-tgcn-56478819942832 (READ-ONLY COPY).

The authoritative reference and input builder live on the scoring server;
editing this copy changes nothing except your own understanding.
"""

import jax, jax.numpy as jnp
import numpy as np

N, E, PERIODS, HID = 50000, 800000, 12, 32


def gcn_conv(x, W, b, src, dst, ew, n):
    # GCNConv with edge weights, added self-loops (fill value 1.0), symmetric norm
    xw = x @ W
    deg = jnp.zeros((n,), x.dtype).at[dst].add(ew) + 1.0
    dinv = jax.lax.rsqrt(deg)
    norm = dinv[src] * ew * dinv[dst]
    agg = jnp.zeros_like(xw).at[dst].add(norm[:, None] * xw[src])
    agg = agg + (dinv * dinv)[:, None] * xw  # self-loop contribution
    return agg + b


def setup_inputs(seed: int = 0) -> dict:
    key = jax.random.key(seed)
    ks = jax.random.split(key, 20)
    x = jax.random.normal(ks[0], (N, PERIODS), jnp.float32)
    edge_index = jax.random.randint(ks[1], (2, E), 0, N, jnp.int32)
    edge_weight = jax.random.uniform(ks[2], (E,), jnp.float32)
    s = 0.1
    Wcz = jax.random.normal(ks[3], (1, HID), jnp.float32) * s
    bcz = jnp.zeros((HID,), jnp.float32)
    Wcr = jax.random.normal(ks[4], (1, HID), jnp.float32) * s
    bcr = jnp.zeros((HID,), jnp.float32)
    Wch = jax.random.normal(ks[5], (1, HID), jnp.float32) * s
    bch = jnp.zeros((HID,), jnp.float32)
    Wlz = jax.random.normal(ks[6], (2 * HID, HID), jnp.float32) * s
    blz = jnp.ones((HID,), jnp.float32)
    Wlr = jax.random.normal(ks[7], (2 * HID, HID), jnp.float32) * s
    blr = jnp.ones((HID,), jnp.float32)
    Wlh = jax.random.normal(ks[8], (2 * HID, HID), jnp.float32) * s
    blh = jnp.zeros((HID,), jnp.float32)
    att = jax.random.normal(ks[9], (PERIODS,), jnp.float32) * s
    Wlin = jax.random.normal(ks[10], (HID, 1), jnp.float32) * s
    blin = jnp.zeros((1,), jnp.float32)
    return {"x": x, "edge_index": edge_index, "edge_weight": edge_weight,
            "Wcz": Wcz, "bcz": bcz, "Wcr": Wcr, "bcr": bcr, "Wch": Wch, "bch": bch,
            "Wlz": Wlz, "blz": blz, "Wlr": Wlr, "blr": blr, "Wlh": Wlh, "blh": blh,
            "att": att, "Wlin": Wlin, "blin": blin}


def reference(x, edge_index, edge_weight, Wcz, bcz, Wcr, bcr, Wch, bch,
              Wlz, blz, Wlr, blr, Wlh, blh, att, Wlin, blin):
    n = x.shape[0]
    src, dst = edge_index[0], edge_index[1]
    X = x.reshape(n, 1, x.shape[1])  # [N, in_channels=1, periods]
    probs = jax.nn.softmax(att, axis=0)
    H0 = jnp.zeros((n, HID), x.dtype)  # H=None -> zeros each period (A3TGCN semantics)
    H_accum = jnp.zeros((n, HID), x.dtype)
    for p in range(PERIODS):
        xt = X[:, :, p]
        Z = jax.nn.sigmoid(jnp.concatenate([gcn_conv(xt, Wcz, bcz, src, dst, edge_weight, n), H0], axis=1) @ Wlz + blz)
        R = jax.nn.sigmoid(jnp.concatenate([gcn_conv(xt, Wcr, bcr, src, dst, edge_weight, n), H0], axis=1) @ Wlr + blr)
        Ht = jnp.tanh(jnp.concatenate([gcn_conv(xt, Wch, bch, src, dst, edge_weight, n), R * H0], axis=1) @ Wlh + blh)
        Hn = Z * H0 + (1.0 - Z) * Ht
        H_accum = H_accum + probs[p] * Hn
    h = jax.nn.relu(H_accum)
    return h @ Wlin + blin

if __name__ == "__main__":
    import jax
    _d = setup_inputs()
    print(jax.jit(kernel)(*tuple(_d.values())))

</pallas_src>

<mosaic_0001>
#map = affine_map<(d0, d1) -> (0, 0)>
#map1 = affine_map<(d0, d1) -> (0)>
module attributes {stable_mosaic.version = 14 : i64} {
  func.func @_deg_kernel(%arg0: i32, %arg1: i32, %arg2: memref<6912x128xi32, #tpu.memory_space<hbm>>, %arg3: memref<6912x128xf32, #tpu.memory_space<hbm>>, %arg4: memref<100352xf32, #tpu.memory_space<hbm>>, %arg5: memref<50176xf32, #tpu.memory_space<vmem_shared>>, %arg6: memref<72x128xi32, #tpu.memory_space<vmem>>, %arg7: memref<72x128xf32, #tpu.memory_space<vmem>>, %arg8: memref<3136xf32, #tpu.memory_space<vmem>>, %arg9: memref<!tpu.dma_semaphore, #tpu.memory_space<semaphore_mem>>) attributes {dimension_semantics = [#tpu.dimension_semantics<core_parallel>, #tpu.dimension_semantics<subcore_parallel>], iteration_bounds = array<i64: 2, 16>, scalar_prefetch = 0 : i64, scratch_operands = 5 : i64, tpu.core_type = #tpu.core_type<sc_vector_subcore>, window_params = [{transform_indices = #map}, {transform_indices = #map}, {transform_indices = #map1}]} {
    %mul3A = arith.constant 2 : i32
    %mul3A_0 = arith.muli %arg1, %mul3A : i32
    %add3A = arith.addi %mul3A_0, %arg0 : i32
    %broadcast_in_dim3A = arith.constant 0.000000e+00 : f32
    %broadcast_in_dim3A_1 = vector.broadcast %broadcast_in_dim3A : f32 to vector<16xf32>
    %scan3A = arith.constant 0 : i32
    %scan3A_2 = arith.constant 0 : i32
    %scan3A_3 = arith.constant 196 : i32
    %scan3A_4 = arith.addi %scan3A_2, %scan3A_3 : i32
    %scan3A_5 = arith.constant 1 : i32
    %scan3A_6 = scf.for %scan3A_25 = %scan3A_2 to %scan3A_4 step %scan3A_5 iter_args(%scan3A_26 = %scan3A) -> (i32)  : i32 {
      %mul3A_27 = arith.constant 16 : i32
      %mul3A_28 = arith.muli %scan3A_25, %mul3A_27 : i32
      %swap3A = arith.index_cast %mul3A_28 : i32 to index
      %swap3A_29 = tpu.vector_load %arg8[%swap3A] {strides = array<i32>} : memref<3136xf32, #tpu.memory_space<vmem>>, vector<16xf32>,
      tpu.vector_store %arg8[%swap3A], %broadcast_in_dim3A_1 {strides = array<i32>} : memref<3136xf32, #tpu.memory_space<vmem>>, vector<16xf32>,
      %scan3A_30 = arith.constant 0 : i32
      scf.yield %scan3A_30 : i32
    }
    %scan3A_7 = arith.constant 196 : i32
    %mul3A_8 = arith.constant 3136 : i32
    %mul3A_9 = arith.muli %arg1, %mul3A_8 : i32
    "tpu.region"() ({
      %run_scoped3A = tpu.sem_alloc : memref<!tpu.dma_semaphore, #tpu.memory_space<semaphore_mem>>
      %dma_start3A = tpu.memref_slice %arg5[%mul3A_9] : memref<50176xf32, #tpu.memory_space<vmem_shared>> -> memref<3136xf32, #tpu.memory_space<vmem_shared>>
      %dma_start3A_25 = tpu.memref_slice %arg5[%mul3A_9] : memref<50176xf32, #tpu.memory_space<vmem_shared>> -> memref<3136xf32, #tpu.memory_space<vmem_shared>>
      tpu.enqueue_dma source(%arg8 : memref<3136xf32, #tpu.memory_space<vmem>>) target(%dma_start3A_25 : memref<3136xf32, #tpu.memory_space<vmem_shared>>) target_semaphore(%run_scoped3A : memref<!tpu.dma_semaphore, #tpu.memory_space<semaphore_mem>>)
      %dma_wait3A = tpu.memref_slice %arg5[%mul3A_9] : memref<50176xf32, #tpu.memory_space<vmem_shared>> -> memref<3136xf32, #tpu.memory_space<vmem_shared>>
      %dma_wait3A_26 = tpu.memref_slice %arg5[%mul3A_9] : memref<50176xf32, #tpu.memory_space<vmem_shared>> -> memref<3136xf32, #tpu.memory_space<vmem_shared>>
      tpu.wait_dma2 semaphore(%run_scoped3A : memref<!tpu.dma_semaphore, #tpu.memory_space<semaphore_mem>>) src(%arg8 : memref<3136xf32, #tpu.memory_space<vmem>>) dst(%dma_wait3A_26 : memref<3136xf32, #tpu.memory_space<vmem_shared>>)
      tpu.yield
    }) : () -> ()
    %barrier3A = arith.constant 0 : index
    tpu.barrier barrier_id(%barrier3A)
    %scan3A_10 = arith.constant 0 : i32
    %scan3A_11 = arith.constant 0 : i32
    %scan3A_12 = arith.constant 3 : i32
    %scan3A_13 = arith.addi %scan3A_11, %scan3A_12 : i32
    %scan3A_14 = arith.constant 1 : i32
    %scan3A_15 = scf.for %scan3A_25 = %scan3A_11 to %scan3A_13 step %scan3A_14 iter_args(%scan3A_26 = %scan3A_10) -> (i32)  : i32 {
      %mul3A_27 = arith.constant 216 : i32
      %mul3A_28 = arith.muli %add3A, %mul3A_27 : i32
      %mul3A_29 = arith.constant 72 : i32
      %mul3A_30 = arith.muli %scan3A_25, %mul3A_29 : i32
      %add3A_31 = arith.addi %mul3A_28, %mul3A_30 : i32
      "tpu.region"() ({
        %run_scoped3A = tpu.sem_alloc : memref<!tpu.dma_semaphore, #tpu.memory_space<semaphore_mem>>
        %dma_start3A = arith.constant 0 : i32
        %dma_start3A_47 = tpu.memref_slice %arg2[%add3A_31, %dma_start3A] : memref<6912x128xi32, #tpu.memory_space<hbm>> -> memref<72x128xi32, #tpu.memory_space<hbm>>
        %dma_start3A_48 = arith.constant 0 : i32
        %dma_start3A_49 = tpu.memref_slice %arg2[%add3A_31, %dma_start3A_48] : memref<6912x128xi32, #tpu.memory_space<hbm>> -> memref<72x128xi32, #tpu.memory_space<hbm>>
        tpu.enqueue_dma source(%dma_start3A_49 : memref<72x128xi32, #tpu.memory_space<hbm>>) target(%arg6 : memref<72x128xi32, #tpu.memory_space<vmem>>) target_semaphore(%run_scoped3A : memref<!tpu.dma_semaphore, #tpu.memory_space<semaphore_mem>>)
        %dma_wait3A = arith.constant 0 : i32
        %dma_wait3A_50 = tpu.memref_slice %arg2[%add3A_31, %dma_wait3A] : memref<6912x128xi32, #tpu.memory_space<hbm>> -> memref<72x128xi32, #tpu.memory_space<hbm>>
        %dma_wait3A_51 = arith.constant 0 : i32
        %dma_wait3A_52 = tpu.memref_slice %arg2[%add3A_31, %dma_wait3A_51] : memref<6912x128xi32, #tpu.memory_space<hbm>> -> memref<72x128xi32, #tpu.memory_space<hbm>>
        tpu.wait_dma2 semaphore(%run_scoped3A : memref<!tpu.dma_semaphore, #tpu.memory_space<semaphore_mem>>) src(%dma_wait3A_52 : memref<72x128xi32, #tpu.memory_space<hbm>>) dst(%arg6 : memref<72x128xi32, #tpu.memory_space<vmem>>)
        tpu.yield
      }) : () -> ()
      "tpu.region"() ({
        %run_scoped3A = tpu.sem_alloc : memref<!tpu.dma_semaphore, #tpu.memory_space<semaphore_mem>>
        %dma_start3A = arith.constant 0 : i32
        %dma_start3A_47 = tpu.memref_slice %arg3[%add3A_31, %dma_start3A] : memref<6912x128xf32, #tpu.memory_space<hbm>> -> memref<72x128xf32, #tpu.memory_space<hbm>>
        %dma_start3A_48 = arith.constant 0 : i32
        %dma_start3A_49 = tpu.memref_slice %arg3[%add3A_31, %dma_start3A_48] : memref<6912x128xf32, #tpu.memory_space<hbm>> -> memref<72x128xf32, #tpu.memory_space<hbm>>
        tpu.enqueue_dma source(%dma_start3A_49 : memref<72x128xf32, #tpu.memory_space<hbm>>) target(%arg7 : memref<72x128xf32, #tpu.memory_space<vmem>>) target_semaphore(%run_scoped3A : memref<!tpu.dma_semaphore, #tpu.memory_space<semaphore_mem>>)
        %dma_wait3A = arith.constant 0 : i32
        %dma_wait3A_50 = tpu.memref_slice %arg3[%add3A_31, %dma_wait3A] : memref<6912x128xf32, #tpu.memory_space<hbm>> -> memref<72x128xf32, #tpu.memory_space<hbm>>
        %dma_wait3A_51 = arith.constant 0 : i32
        %dma_wait3A_52 = tpu.memref_slice %arg3[%add3A_31, %dma_wait3A_51] : memref<6912x128xf32, #tpu.memory_space<hbm>> -> memref<72x128xf32, #tpu.memory_space<hbm>>
        tpu.wait_dma2 semaphore(%run_scoped3A : memref<!tpu.dma_semaphore, #tpu.memory_space<semaphore_mem>>) src(%dma_wait3A_52 : memref<72x128xf32, #tpu.memory_space<hbm>>) dst(%arg7 : memref<72x128xf32, #tpu.memory_space<vmem>>)
        tpu.yield
      }) : () -> ()
      %scan3A_32 = arith.constant 0 : i32
      %scan3A_33 = arith.constant 0 : i32
      %scan3A_34 = arith.constant 72 : i32
      %scan3A_35 = arith.addi %scan3A_33, %scan3A_34 : i32
      %scan3A_36 = arith.constant 1 : i32
      %scan3A_37 = scf.for %scan3A_47 = %scan3A_33 to %scan3A_35 step %scan3A_36 iter_args(%scan3A_48 = %scan3A_32) -> (i32)  : i32 {
        %dma_start3A = arith.constant 0 : i32
        %dma_start3A_49 = tpu.memref_slice %arg7[%scan3A_47, %dma_start3A] : memref<72x128xf32, #tpu.memory_space<vmem>> -> memref<1x128xf32, #tpu.memory_space<vmem>>
        %dma_start3A_50 = tpu.memref_squeeze %dma_start3A_49 : memref<1x128xf32, #tpu.memory_space<vmem>> -> memref<128xf32, #tpu.memory_space<vmem>>
        %dma_start3A_51 = arith.constant 0 : i32
        %dma_start3A_52 = tpu.memref_slice %arg6[%scan3A_47, %dma_start3A_51] : memref<72x128xi32, #tpu.memory_space<vmem>> -> memref<1x128xi32, #tpu.memory_space<vmem>>
        %dma_start3A_53 = tpu.memref_squeeze %dma_start3A_52 : memref<1x128xi32, #tpu.memory_space<vmem>> -> memref<128xi32, #tpu.memory_space<vmem>>
        %dma_start3A_54 = arith.constant 0 : i32
        %dma_start3A_55 = tpu.memref_slice %arg5[%dma_start3A_54] : memref<50176xf32, #tpu.memory_space<vmem_shared>> -> memref<50176xf32, #tpu.memory_space<vmem_shared>>
        tpu.enqueue_indirect_dma source(%dma_start3A_50 : memref<128xf32, #tpu.memory_space<vmem>>) target(%dma_start3A_55 : memref<50176xf32, #tpu.memory_space<vmem_shared>>) offsets(%dma_start3A_53 : memref<128xi32, #tpu.memory_space<vmem>>) semaphore(%arg9 : memref<!tpu.dma_semaphore, #tpu.memory_space<semaphore_mem>>) {add = true}
        %scan3A_56 = arith.constant 0 : i32
        scf.yield %scan3A_56 : i32
      }
      %scan3A_38 = arith.constant 72 : i32
      %scan3A_39 = arith.constant 0 : i32
      %scan3A_40 = arith.constant 0 : i32
      %scan3A_41 = arith.constant 72 : i32
      %scan3A_42 = arith.addi %scan3A_40, %scan3A_41 : i32
      %scan3A_43 = arith.constant 1 : i32
      %scan3A_44 = scf.for %scan3A_47 = %scan3A_40 to %scan3A_42 step %scan3A_43 iter_args(%scan3A_48 = %scan3A_39) -> (i32)  : i32 {
        %dma_wait3A = arith.constant 0 : i32
        %dma_wait3A_49 = tpu.memref_slice %arg7[%scan3A_47, %dma_wait3A] : memref<72x128xf32, #tpu.memory_space<vmem>> -> memref<1x128xf32, #tpu.memory_space<vmem>>
        %dma_wait3A_50 = tpu.memref_squeeze %dma_wait3A_49 : memref<1x128xf32, #tpu.memory_space<vmem>> -> memref<128xf32, #tpu.memory_space<vmem>>
        %dma_wait3A_51 = arith.constant 0 : i32
        %dma_wait3A_52 = tpu.memref_slice %arg6[%scan3A_47, %dma_wait3A_51] : memref<72x128xi32, #tpu.memory_space<vmem>> -> memref<1x128xi32, #tpu.memory_space<vmem>>
        %dma_wait3A_53 = tpu.memref_squeeze %dma_wait3A_52 : memref<1x128xi32, #tpu.memory_space<vmem>> -> memref<128xi32, #tpu.memory_space<vmem>>
        %dma_wait3A_54 = arith.constant 0 : i32
        %dma_wait3A_55 = tpu.memref_slice %arg5[%dma_wait3A_54] : memref<50176xf32, #tpu.memory_space<vmem_shared>> -> memref<50176xf32, #tpu.memory_space<vmem_shared>>
        tpu.wait_indirect_dma semaphore(%arg9 : memref<!tpu.dma_semaphore, #tpu.memory_space<semaphore_mem>>) src(%dma_wait3A_50 : memref<128xf32, #tpu.memory_space<vmem>>) dst(%dma_wait3A_55 : memref<50176xf32, #tpu.memory_space<vmem_shared>>)
        %scan3A_56 = arith.constant 0 : i32
        scf.yield %scan3A_56 : i32
      }
      %scan3A_45 = arith.constant 72 : i32
      %scan3A_46 = arith.constant 0 : i32
      scf.yield %scan3A_46 : i32
    }
    %scan3A_16 = arith.constant 3 : i32
    %barrier3A_17 = arith.constant 0 : index
    tpu.barrier barrier_id(%barrier3A_17)
    %mul3A_18 = arith.constant 50176 : i32
    %mul3A_19 = arith.muli %arg0, %mul3A_18 : i32
    %mul3A_20 = arith.constant 3136 : i32
    %mul3A_21 = arith.muli %arg1, %mul3A_20 : i32
    %add3A_22 = arith.addi %mul3A_19, %mul3A_21 : i32
    %multiple_of3A = tpu.assume_multiple %add3A_22, 8 : i32
    %mul3A_23 = arith.constant 3136 : i32
    %mul3A_24 = arith.muli %arg1, %mul3A_23 : i32
    "tpu.region"() ({
      %run_scoped3A = tpu.sem_alloc : memref<!tpu.dma_semaphore, #tpu.memory_space<semaphore_mem>>
      %dma_start3A = tpu.memref_slice %arg5[%mul3A_24] : memref<50176xf32, #tpu.memory_space<vmem_shared>> -> memref<3136xf32, #tpu.memory_space<vmem_shared>>
      %dma_start3A_25 = tpu.memref_slice %arg5[%mul3A_24] : memref<50176xf32, #tpu.memory_space<vmem_shared>> -> memref<3136xf32, #tpu.memory_space<vmem_shared>>
      tpu.enqueue_dma source(%dma_start3A_25 : memref<3136xf32, #tpu.memory_space<vmem_shared>>) target(%arg8 : memref<3136xf32, #tpu.memory_space<vmem>>) target_semaphore(%run_scoped3A : memref<!tpu.dma_semaphore, #tpu.memory_space<semaphore_mem>>)
      %dma_wait3A = tpu.memref_slice %arg5[%mul3A_24] : memref<50176xf32, #tpu.memory_space<vmem_shared>> -> memref<3136xf32, #tpu.memory_space<vmem_shared>>
      %dma_wait3A_26 = tpu.memref_slice %arg5[%mul3A_24] : memref<50176xf32, #tpu.memory_space<vmem_shared>> -> memref<3136xf32, #tpu.memory_space<vmem_shared>>
      tpu.wait_dma2 semaphore(%run_scoped3A : memref<!tpu.dma_semaphore, #tpu.memory_space<semaphore_mem>>) src(%dma_wait3A_26 : memref<3136xf32, #tpu.memory_space<vmem_shared>>) dst(%arg8 : memref<3136xf32, #tpu.memory_space<vmem>>)
      tpu.yield
    }) : () -> ()
    "tpu.region"() ({
      %run_scoped3A = tpu.sem_alloc : memref<!tpu.dma_semaphore, #tpu.memory_space<semaphore_mem>>
      %dma_start3A = tpu.memref_slice %arg4[%multiple_of3A] : memref<100352xf32, #tpu.memory_space<hbm>> -> memref<3136xf32, #tpu.memory_space<hbm>>
      %dma_start3A_25 = tpu.memref_slice %arg4[%multiple_of3A] : memref<100352xf32, #tpu.memory_space<hbm>> -> memref<3136xf32, #tpu.memory_space<hbm>>
      tpu.enqueue_dma source(%arg8 : memref<3136xf32, #tpu.memory_space<vmem>>) target(%dma_start3A_25 : memref<3136xf32, #tpu.memory_space<hbm>>) target_semaphore(%run_scoped3A : memref<!tpu.dma_semaphore, #tpu.memory_space<semaphore_mem>>)
      %dma_wait3A = tpu.memref_slice %arg4[%multiple_of3A] : memref<100352xf32, #tpu.memory_space<hbm>> -> memref<3136xf32, #tpu.memory_space<hbm>>
      %dma_wait3A_26 = tpu.memref_slice %arg4[%multiple_of3A] : memref<100352xf32, #tpu.memory_space<hbm>> -> memref<3136xf32, #tpu.memory_space<hbm>>
      tpu.wait_dma2 semaphore(%run_scoped3A : memref<!tpu.dma_semaphore, #tpu.memory_space<semaphore_mem>>) src(%arg8 : memref<3136xf32, #tpu.memory_space<vmem>>) dst(%dma_wait3A_26 : memref<3136xf32, #tpu.memory_space<hbm>>)
      tpu.yield
    }) : () -> ()
    return
  }
}

#map = affine_map<(d0, d1) -> (0, 0)>
#map1 = affine_map<(d0, d1) -> (0)>
#map2 = affine_map<(d0, d1) -> (0, 0, 0)>
module attributes {stable_mosaic.version = 14 : i64} {
  func.func @_edge_kernel(%arg0: i32, %arg1: i32, %arg2: memref<6912x128xi32, #tpu.memory_space<hbm>>, %arg3: memref<6912x128xi32, #tpu.memory_space<hbm>>, %arg4: memref<6912x128xf32, #tpu.memory_space<hbm>>, %arg5: memref<50176xf32, #tpu.memory_space<hbm>>, %arg6: memref<50176x16xf32, #tpu.memory_space<hbm>>, %arg7: memref<2x50176x16xf32, #tpu.memory_space<hbm>>, %arg8: memref<50176x16xf32, #tpu.memory_space<vmem_shared>>, %arg9: memref<50176xf32, #tpu.memory_space<vmem_shared>>, %arg10: memref<72x128xi32, #tpu.memory_space<vmem>>, %arg11: memref<72x128xi32, #tpu.memory_space<vmem>>, %arg12: memref<72x128xf32, #tpu.memory_space<vmem>>, %arg13: memref<4x128xf32, #tpu.memory_space<vmem>>, %arg14: memref<4x128x16xf32, #tpu.memory_space<vmem>>, %arg15: memref<2x128x16xf32, #tpu.memory_space<vmem>>, %arg16: memref<784x16xf32, #tpu.memory_space<vmem>>, %arg17: memref<1568xf32, #tpu.memory_space<vmem>>, %arg18: memref<4x!tpu.dma_semaphore, #tpu.memory_space<semaphore_mem>>, %arg19: memref<4x!tpu.dma_semaphore, #tpu.memory_space<semaphore_mem>>, %arg20: memref<2x!tpu.dma_semaphore, #tpu.memory_space<semaphore_mem>>) attributes {dimension_semantics = [#tpu.dimension_semantics<core_parallel>, #tpu.dimension_semantics<subcore_parallel>], iteration_bounds = array<i64: 2, 16>, scalar_prefetch = 0 : i64, scratch_operands = 13 : i64, tpu.core_type = #tpu.core_type<sc_vector_subcore>, window_params = [{transform_indices = #map}, {transform_indices = #map}, {transform_indices = #map}, {transform_indices = #map1}, {transform_indices = #map}, {transform_indices = #map2}]} {
    %mul3A = arith.constant 2 : i32
    %mul3A_0 = arith.muli %arg1, %mul3A : i32
    %add3A = arith.addi %mul3A_0, %arg0 : i32
    %broadcast_in_dim3A = arith.constant 0.000000e+00 : f32
    %broadcast_in_dim3A_1 = vector.broadcast %broadcast_in_dim3A : f32 to vector<16xf32>
    %scan3A = arith.constant 0 : i32
    %scan3A_2 = arith.constant 0 : i32
    %scan3A_3 = arith.constant 784 : i32
    %scan3A_4 = arith.addi %scan3A_2, %scan3A_3 : i32
    %scan3A_5 = arith.constant 1 : i32
    %scan3A_6 = scf.for %scan3A_80 = %scan3A_2 to %scan3A_4 step %scan3A_5 iter_args(%scan3A_81 = %scan3A) -> (i32)  : i32 {
      %swap3A = arith.index_cast %scan3A_80 : i32 to index
      %swap3A_82 = arith.constant 0 : index
      %swap3A_83 = tpu.vector_load %arg16[%swap3A, %swap3A_82] {strides = array<i32>} : memref<784x16xf32, #tpu.memory_space<vmem>>, vector<16xf32>,
      tpu.vector_store %arg16[%swap3A, %swap3A_82], %broadcast_in_dim3A_1 {strides = array<i32>} : memref<784x16xf32, #tpu.memory_space<vmem>>, vector<16xf32>,
      %scan3A_84 = arith.constant 0 : i32
      scf.yield %scan3A_84 : i32
    }
    %scan3A_7 = arith.constant 784 : i32
    %mul3A_8 = arith.constant 3136 : i32
    %mul3A_9 = arith.muli %arg1, %mul3A_8 : i32
    %add3A_10 = arith.constant 0 : i32
    %add3A_11 = arith.addi %mul3A_9, %add3A_10 : i32
    "tpu.region"() ({
      %run_scoped3A = tpu.sem_alloc : memref<!tpu.dma_semaphore, #tpu.memory_space<semaphore_mem>>
      %dma_start3A = arith.constant 0 : i32
      %dma_start3A_80 = tpu.memref_slice %arg8[%add3A_11, %dma_start3A] : memref<50176x16xf32, #tpu.memory_space<vmem_shared>> -> memref<784x16xf32, #tpu.memory_space<vmem_shared>>
      %dma_start3A_81 = arith.constant 0 : i32
      %dma_start3A_82 = tpu.memref_slice %arg8[%add3A_11, %dma_start3A_81] : memref<50176x16xf32, #tpu.memory_space<vmem_shared>> -> memref<784x16xf32, #tpu.memory_space<vmem_shared>>
      tpu.enqueue_dma source(%arg16 : memref<784x16xf32, #tpu.memory_space<vmem>>) target(%dma_start3A_82 : memref<784x16xf32, #tpu.memory_space<vmem_shared>>) target_semaphore(%run_scoped3A : memref<!tpu.dma_semaphore, #tpu.memory_space<semaphore_mem>>)
      %dma_wait3A = arith.constant 0 : i32
      %dma_wait3A_83 = tpu.memref_slice %arg8[%add3A_11, %dma_wait3A] : memref<50176x16xf32, #tpu.memory_space<vmem_shared>> -> memref<784x16xf32, #tpu.memory_space<vmem_shared>>
      %dma_wait3A_84 = arith.constant 0 : i32
      %dma_wait3A_85 = tpu.memref_slice %arg8[%add3A_11, %dma_wait3A_84] : memref<50176x16xf32, #tpu.memory_space<vmem_shared>> -> memref<784x16xf32, #tpu.memory_space<vmem_shared>>
      tpu.wait_dma2 semaphore(%run_scoped3A : memref<!tpu.dma_semaphore, #tpu.memory_space<semaphore_mem>>) src(%arg16 : memref<784x16xf32, #tpu.memory_space<vmem>>) dst(%dma_wait3A_85 : memref<784x16xf32, #tpu.memory_space<vmem_shared>>)
      tpu.yield
    }) : () -> ()
    %mul3A_12 = arith.constant 3136 : i32
    %mul3A_13 = arith.muli %arg1, %mul3A_12 : i32
    %add3A_14 = arith.constant 784 : i32
    %add3A_15 = arith.addi %mul3A_13, %add3A_14 : i32
    "tpu.region"() ({
      %run_scoped3A = tpu.sem_alloc : memref<!tpu.dma_semaphore, #tpu.memory_space<semaphore_mem>>
      %dma_start3A = arith.constant 0 : i32
      %dma_start3A_80 = tpu.memref_slice %arg8[%add3A_15, %dma_start3A] : memref<50176x16xf32, #tpu.memory_space<vmem_shared>> -> memref<784x16xf32, #tpu.memory_space<vmem_shared>>
      %dma_start3A_81 = arith.constant 0 : i32
      %dma_start3A_82 = tpu.memref_slice %arg8[%add3A_15, %dma_start3A_81] : memref<50176x16xf32, #tpu.memory_space<vmem_shared>> -> memref<784x16xf32, #tpu.memory_space<vmem_shared>>
      tpu.enqueue_dma source(%arg16 : memref<784x16xf32, #tpu.memory_space<vmem>>) target(%dma_start3A_82 : memref<784x16xf32, #tpu.memory_space<vmem_shared>>) target_semaphore(%run_scoped3A : memref<!tpu.dma_semaphore, #tpu.memory_space<semaphore_mem>>)
      %dma_wait3A = arith.constant 0 : i32
      %dma_wait3A_83 = tpu.memref_slice %arg8[%add3A_15, %dma_wait3A] : memref<50176x16xf32, #tpu.memory_space<vmem_shared>> -> memref<784x16xf32, #tpu.memory_space<vmem_shared>>
      %dma_wait3A_84 = arith.constant 0 : i32
      %dma_wait3A_85 = tpu.memref_slice %arg8[%add3A_15, %dma_wait3A_84] : memref<50176x16xf32, #tpu.memory_space<vmem_shared>> -> memref<784x16xf32, #tpu.memory_space<vmem_shared>>
      tpu.wait_dma2 semaphore(%run_scoped3A : memref<!tpu.dma_semaphore, #tpu.memory_space<semaphore_mem>>) src(%arg16 : memref<784x16xf32, #tpu.memory_space<vmem>>) dst(%dma_wait3A_85 : memref<784x16xf32, #tpu.memory_space<vmem_shared>>)
      tpu.yield
    }) : () -> ()
    %mul3A_16 = arith.constant 3136 : i32
    %mul3A_17 = arith.muli %arg1, %mul3A_16 : i32
    %add3A_18 = arith.constant 1568 : i32
    %add3A_19 = arith.addi %mul3A_17, %add3A_18 : i32
    "tpu.region"() ({
      %run_scoped3A = tpu.sem_alloc : memref<!tpu.dma_semaphore, #tpu.memory_space<semaphore_mem>>
      %dma_start3A = arith.constant 0 : i32
      %dma_start3A_80 = tpu.memref_slice %arg8[%add3A_19, %dma_start3A] : memref<50176x16xf32, #tpu.memory_space<vmem_shared>> -> memref<784x16xf32, #tpu.memory_space<vmem_shared>>
      %dma_start3A_81 = arith.constant 0 : i32
      %dma_start3A_82 = tpu.memref_slice %arg8[%add3A_19, %dma_start3A_81] : memref<50176x16xf32, #tpu.memory_space<vmem_shared>> -> memref<784x16xf32, #tpu.memory_space<vmem_shared>>
      tpu.enqueue_dma source(%arg16 : memref<784x16xf32, #tpu.memory_space<vmem>>) target(%dma_start3A_82 : memref<784x16xf32, #tpu.memory_space<vmem_shared>>) target_semaphore(%run_scoped3A : memref<!tpu.dma_semaphore, #tpu.memory_space<semaphore_mem>>)
      %dma_wait3A = arith.constant 0 : i32
      %dma_wait3A_83 = tpu.memref_slice %arg8[%add3A_19, %dma_wait3A] : memref<50176x16xf32, #tpu.memory_space<vmem_shared>> -> memref<784x16xf32, #tpu.memory_space<vmem_shared>>
      %dma_wait3A_84 = arith.constant 0 : i32
      %dma_wait3A_85 = tpu.memref_slice %arg8[%add3A_19, %dma_wait3A_84] : memref<50176x16xf32, #tpu.memory_space<vmem_shared>> -> memref<784x16xf32, #tpu.memory_space<vmem_shared>>
      tpu.wait_dma2 semaphore(%run_scoped3A : memref<!tpu.dma_semaphore, #tpu.memory_space<semaphore_mem>>) src(%arg16 : memref<784x16xf32, #tpu.memory_space<vmem>>) dst(%dma_wait3A_85 : memref<784x16xf32, #tpu.memory_space<vmem_shared>>)
      tpu.yield
    }) : () -> ()
    %mul3A_20 = arith.constant 3136 : i32
    %mul3A_21 = arith.muli %arg1, %mul3A_20 : i32
    %add3A_22 = arith.constant 2352 : i32
    %add3A_23 = arith.addi %mul3A_21, %add3A_22 : i32
    "tpu.region"() ({
      %run_scoped3A = tpu.sem_alloc : memref<!tpu.dma_semaphore, #tpu.memory_space<semaphore_mem>>
      %dma_start3A = arith.constant 0 : i32
      %dma_start3A_80 = tpu.memref_slice %arg8[%add3A_23, %dma_start3A] : memref<50176x16xf32, #tpu.memory_space<vmem_shared>> -> memref<784x16xf32, #tpu.memory_space<vmem_shared>>
      %dma_start3A_81 = arith.constant 0 : i32
      %dma_start3A_82 = tpu.memref_slice %arg8[%add3A_23, %dma_start3A_81] : memref<50176x16xf32, #tpu.memory_space<vmem_shared>> -> memref<784x16xf32, #tpu.memory_space<vmem_shared>>
      tpu.enqueue_dma source(%arg16 : memref<784x16xf32, #tpu.memory_space<vmem>>) target(%dma_start3A_82 : memref<784x16xf32, #tpu.memory_space<vmem_shared>>) target_semaphore(%run_scoped3A : memref<!tpu.dma_semaphore, #tpu.memory_space<semaphore_mem>>)
      %dma_wait3A = arith.constant 0 : i32
      %dma_wait3A_83 = tpu.memref_slice %arg8[%add3A_23, %dma_wait3A] : memref<50176x16xf32, #tpu.memory_space<vmem_shared>> -> memref<784x16xf32, #tpu.memory_space<vmem_shared>>
      %dma_wait3A_84 = arith.constant 0 : i32
      %dma_wait3A_85 = tpu.memref_slice %arg8[%add3A_23, %dma_wait3A_84] : memref<50176x16xf32, #tpu.memory_space<vmem_shared>> -> memref<784x16xf32, #tpu.memory_space<vmem_shared>>
      tpu.wait_dma2 semaphore(%run_scoped3A : memref<!tpu.dma_semaphore, #tpu.memory_space<semaphore_mem>>) src(%arg16 : memref<784x16xf32, #tpu.memory_space<vmem>>) dst(%dma_wait3A_85 : memref<784x16xf32, #tpu.memory_space<vmem_shared>>)
      tpu.yield
    }) : () -> ()
    %mul3A_24 = arith.constant 3136 : i32
    %mul3A_25 = arith.muli %arg1, %mul3A_24 : i32
    %add3A_26 = arith.constant 0 : i32
    %add3A_27 = arith.addi %mul3A_25, %add3A_26 : i32
    "tpu.region"() ({
      %run_scoped3A = tpu.sem_alloc : memref<!tpu.dma_semaphore, #tpu.memory_space<semaphore_mem>>
      %dma_start3A = tpu.memref_slice %arg5[%add3A_27] : memref<50176xf32, #tpu.memory_space<hbm>> -> memref<1568xf32, #tpu.memory_space<hbm>>
      %dma_start3A_80 = tpu.memref_slice %arg5[%add3A_27] : memref<50176xf32, #tpu.memory_space<hbm>> -> memref<1568xf32, #tpu.memory_space<hbm>>
      tpu.enqueue_dma source(%dma_start3A_80 : memref<1568xf32, #tpu.memory_space<hbm>>) target(%arg17 : memref<1568xf32, #tpu.memory_space<vmem>>) target_semaphore(%run_scoped3A : memref<!tpu.dma_semaphore, #tpu.memory_space<semaphore_mem>>)
      %dma_wait3A = tpu.memref_slice %arg5[%add3A_27] : memref<50176xf32, #tpu.memory_space<hbm>> -> memref<1568xf32, #tpu.memory_space<hbm>>
      %dma_wait3A_81 = tpu.memref_slice %arg5[%add3A_27] : memref<50176xf32, #tpu.memory_space<hbm>> -> memref<1568xf32, #tpu.memory_space<hbm>>
      tpu.wait_dma2 semaphore(%run_scoped3A : memref<!tpu.dma_semaphore, #tpu.memory_space<semaphore_mem>>) src(%dma_wait3A_81 : memref<1568xf32, #tpu.memory_space<hbm>>) dst(%arg17 : memref<1568xf32, #tpu.memory_space<vmem>>)
      tpu.yield
    }) : () -> ()
    %mul3A_28 = arith.constant 3136 : i32
    %mul3A_29 = arith.muli %arg1, %mul3A_28 : i32
    %add3A_30 = arith.constant 0 : i32
    %add3A_31 = arith.addi %mul3A_29, %add3A_30 : i32
    "tpu.region"() ({
      %run_scoped3A = tpu.sem_alloc : memref<!tpu.dma_semaphore, #tpu.memory_space<semaphore_mem>>
      %dma_start3A = tpu.memref_slice %arg9[%add3A_31] : memref<50176xf32, #tpu.memory_space<vmem_shared>> -> memref<1568xf32, #tpu.memory_space<vmem_shared>>
      %dma_start3A_80 = tpu.memref_slice %arg9[%add3A_31] : memref<50176xf32, #tpu.memory_space<vmem_shared>> -> memref<1568xf32, #tpu.memory_space<vmem_shared>>
      tpu.enqueue_dma source(%arg17 : memref<1568xf32, #tpu.memory_space<vmem>>) target(%dma_start3A_80 : memref<1568xf32, #tpu.memory_space<vmem_shared>>) target_semaphore(%run_scoped3A : memref<!tpu.dma_semaphore, #tpu.memory_space<semaphore_mem>>)
      %dma_wait3A = tpu.memref_slice %arg9[%add3A_31] : memref<50176xf32, #tpu.memory_space<vmem_shared>> -> memref<1568xf32, #tpu.memory_space<vmem_shared>>
      %dma_wait3A_81 = tpu.memref_slice %arg9[%add3A_31] : memref<50176xf32, #tpu.memory_space<vmem_shared>> -> memref<1568xf32, #tpu.memory_space<vmem_shared>>
      tpu.wait_dma2 semaphore(%run_scoped3A : memref<!tpu.dma_semaphore, #tpu.memory_space<semaphore_mem>>) src(%arg17 : memref<1568xf32, #tpu.memory_space<vmem>>) dst(%dma_wait3A_81 : memref<1568xf32, #tpu.memory_space<vmem_shared>>)
      tpu.yield
    }) : () -> ()
    %mul3A_32 = arith.constant 3136 : i32
    %mul3A_33 = arith.muli %arg1, %mul3A_32 : i32
    %add3A_34 = arith.constant 1568 : i32
    %add3A_35 = arith.addi %mul3A_33, %add3A_34 : i32
    "tpu.region"() ({
      %run_scoped3A = tpu.sem_alloc : memref<!tpu.dma_semaphore, #tpu.memory_space<semaphore_mem>>
      %dma_start3A = tpu.memref_slice %arg5[%add3A_35] : memref<50176xf32, #tpu.memory_space<hbm>> -> memref<1568xf32, #tpu.memory_space<hbm>>
      %dma_start3A_80 = tpu.memref_slice %arg5[%add3A_35] : memref<50176xf32, #tpu.memory_space<hbm>> -> memref<1568xf32, #tpu.memory_space<hbm>>
      tpu.enqueue_dma source(%dma_start3A_80 : memref<1568xf32, #tpu.memory_space<hbm>>) target(%arg17 : memref<1568xf32, #tpu.memory_space<vmem>>) target_semaphore(%run_scoped3A : memref<!tpu.dma_semaphore, #tpu.memory_space<semaphore_mem>>)
      %dma_wait3A = tpu.memref_slice %arg5[%add3A_35] : memref<50176xf32, #tpu.memory_space<hbm>> -> memref<1568xf32, #tpu.memory_space<hbm>>
      %dma_wait3A_81 = tpu.memref_slice %arg5[%add3A_35] : memref<50176xf32, #tpu.memory_space<hbm>> -> memref<1568xf32, #tpu.memory_space<hbm>>
      tpu.wait_dma2 semaphore(%run_scoped3A : memref<!tpu.dma_semaphore, #tpu.memory_space<semaphore_mem>>) src(%dma_wait3A_81 : memref<1568xf32, #tpu.memory_space<hbm>>) dst(%arg17 : memref<1568xf32, #tpu.memory_space<vmem>>)
      tpu.yield
    }) : () -> ()
    %mul3A_36 = arith.constant 3136 : i32
    %mul3A_37 = arith.muli %arg1, %mul3A_36 : i32
    %add3A_38 = arith.constant 1568 : i32
    %add3A_39 = arith.addi %mul3A_37, %add3A_38 : i32
    "tpu.region"() ({
      %run_scoped3A = tpu.sem_alloc : memref<!tpu.dma_semaphore, #tpu.memory_space<semaphore_mem>>
      %dma_start3A = tpu.memref_slice %arg9[%add3A_39] : memref<50176xf32, #tpu.memory_space<vmem_shared>> -> memref<1568xf32, #tpu.memory_space<vmem_shared>>
      %dma_start3A_80 = tpu.memref_slice %arg9[%add3A_39] : memref<50176xf32, #tpu.memory_space<vmem_shared>> -> memref<1568xf32, #tpu.memory_space<vmem_shared>>
      tpu.enqueue_dma source(%arg17 : memref<1568xf32, #tpu.memory_space<vmem>>) target(%dma_start3A_80 : memref<1568xf32, #tpu.memory_space<vmem_shared>>) target_semaphore(%run_scoped3A : memref<!tpu.dma_semaphore, #tpu.memory_space<semaphore_mem>>)
      %dma_wait3A = tpu.memref_slice %arg9[%add3A_39] : memref<50176xf32, #tpu.memory_space<vmem_shared>> -> memref<1568xf32, #tpu.memory_space<vmem_shared>>
      %dma_wait3A_81 = tpu.memref_slice %arg9[%add3A_39] : memref<50176xf32, #tpu.memory_space<vmem_shared>> -> memref<1568xf32, #tpu.memory_space<vmem_shared>>
      tpu.wait_dma2 semaphore(%run_scoped3A : memref<!tpu.dma_semaphore, #tpu.memory_space<semaphore_mem>>) src(%arg17 : memref<1568xf32, #tpu.memory_space<vmem>>) dst(%dma_wait3A_81 : memref<1568xf32, #tpu.memory_space<vmem_shared>>)
      tpu.yield
    }) : () -> ()
    %barrier3A = arith.constant 0 : index
    tpu.barrier barrier_id(%barrier3A)
    %scan3A_40 = arith.constant 0 : i32
    %scan3A_41 = arith.constant 0 : i32
    %scan3A_42 = arith.constant 3 : i32
    %scan3A_43 = arith.addi %scan3A_41, %scan3A_42 : i32
    %scan3A_44 = arith.constant 1 : i32
    %scan3A_45 = scf.for %scan3A_80 = %scan3A_41 to %scan3A_43 step %scan3A_44 iter_args(%scan3A_81 = %scan3A_40) -> (i32)  : i32 {
      %mul3A_82 = arith.constant 216 : i32
      %mul3A_83 = arith.muli %add3A, %mul3A_82 : i32
      %mul3A_84 = arith.constant 72 : i32
      %mul3A_85 = arith.muli %scan3A_80, %mul3A_84 : i32
      %add3A_86 = arith.addi %mul3A_83, %mul3A_85 : i32
      "tpu.region"() ({
        %run_scoped3A = tpu.sem_alloc : memref<!tpu.dma_semaphore, #tpu.memory_space<semaphore_mem>>
        %dma_start3A_235 = arith.constant 0 : i32
        %dma_start3A_236 = tpu.memref_slice %arg2[%add3A_86, %dma_start3A_235] : memref<6912x128xi32, #tpu.memory_space<hbm>> -> memref<72x128xi32, #tpu.memory_space<hbm>>
        %dma_start3A_237 = arith.constant 0 : i32
        %dma_start3A_238 = tpu.memref_slice %arg2[%add3A_86, %dma_start3A_237] : memref<6912x128xi32, #tpu.memory_space<hbm>> -> memref<72x128xi32, #tpu.memory_space<hbm>>
        tpu.enqueue_dma source(%dma_start3A_238 : memref<72x128xi32, #tpu.memory_space<hbm>>) target(%arg10 : memref<72x128xi32, #tpu.memory_space<vmem>>) target_semaphore(%run_scoped3A : memref<!tpu.dma_semaphore, #tpu.memory_space<semaphore_mem>>)
        %dma_wait3A_239 = arith.constant 0 : i32
        %dma_wait3A_240 = tpu.memref_slice %arg2[%add3A_86, %dma_wait3A_239] : memref<6912x128xi32, #tpu.memory_space<hbm>> -> memref<72x128xi32, #tpu.memory_space<hbm>>
        %dma_wait3A_241 = arith.constant 0 : i32
        %dma_wait3A_242 = tpu.memref_slice %arg2[%add3A_86, %dma_wait3A_241] : memref<6912x128xi32, #tpu.memory_space<hbm>> -> memref<72x128xi32, #tpu.memory_space<hbm>>
        tpu.wait_dma2 semaphore(%run_scoped3A : memref<!tpu.dma_semaphore, #tpu.memory_space<semaphore_mem>>) src(%dma_wait3A_242 : memref<72x128xi32, #tpu.memory_space<hbm>>) dst(%arg10 : memref<72x128xi32, #tpu.memory_space<vmem>>)
        tpu.yield
      }) : () -> ()
      "tpu.region"() ({
        %run_scoped3A = tpu.sem_alloc : memref<!tpu.dma_semaphore, #tpu.memory_space<semaphore_mem>>
        %dma_start3A_235 = arith.constant 0 : i32
        %dma_start3A_236 = tpu.memref_slice %arg3[%add3A_86, %dma_start3A_235] : memref<6912x128xi32, #tpu.memory_space<hbm>> -> memref<72x128xi32, #tpu.memory_space<hbm>>
        %dma_start3A_237 = arith.constant 0 : i32
        %dma_start3A_238 = tpu.memref_slice %arg3[%add3A_86, %dma_start3A_237] : memref<6912x128xi32, #tpu.memory_space<hbm>> -> memref<72x128xi32, #tpu.memory_space<hbm>>
        tpu.enqueue_dma source(%dma_start3A_238 : memref<72x128xi32, #tpu.memory_space<hbm>>) target(%arg11 : memref<72x128xi32, #tpu.memory_space<vmem>>) target_semaphore(%run_scoped3A : memref<!tpu.dma_semaphore, #tpu.memory_space<semaphore_mem>>)
        %dma_wait3A_239 = arith.constant 0 : i32
        %dma_wait3A_240 = tpu.memref_slice %arg3[%add3A_86, %dma_wait3A_239] : memref<6912x128xi32, #tpu.memory_space<hbm>> -> memref<72x128xi32, #tpu.memory_space<hbm>>
        %dma_wait3A_241 = arith.constant 0 : i32
        %dma_wait3A_242 = tpu.memref_slice %arg3[%add3A_86, %dma_wait3A_241] : memref<6912x128xi32, #tpu.memory_space<hbm>> -> memref<72x128xi32, #tpu.memory_space<hbm>>
        tpu.wait_dma2 semaphore(%run_scoped3A : memref<!tpu.dma_semaphore, #tpu.memory_space<semaphore_mem>>) src(%dma_wait3A_242 : memref<72x128xi32, #tpu.memory_space<hbm>>) dst(%arg11 : memref<72x128xi32, #tpu.memory_space<vmem>>)
        tpu.yield
      }) : () -> ()
      "tpu.region"() ({
        %run_scoped3A = tpu.sem_alloc : memref<!tpu.dma_semaphore, #tpu.memory_space<semaphore_mem>>
        %dma_start3A_235 = arith.constant 0 : i32
        %dma_start3A_236 = tpu.memref_slice %arg4[%add3A_86, %dma_start3A_235] : memref<6912x128xf32, #tpu.memory_space<hbm>> -> memref<72x128xf32, #tpu.memory_space<hbm>>
        %dma_start3A_237 = arith.constant 0 : i32
        %dma_start3A_238 = tpu.memref_slice %arg4[%add3A_86, %dma_start3A_237] : memref<6912x128xf32, #tpu.memory_space<hbm>> -> memref<72x128xf32, #tpu.memory_space<hbm>>
        tpu.enqueue_dma source(%dma_start3A_238 : memref<72x128xf32, #tpu.memory_space<hbm>>) target(%arg12 : memref<72x128xf32, #tpu.memory_space<vmem>>) target_semaphore(%run_scoped3A : memref<!tpu.dma_semaphore, #tpu.memory_space<semaphore_mem>>)
        %dma_wait3A_239 = arith.constant 0 : i32
        %dma_wait3A_240 = tpu.memref_slice %arg4[%add3A_86, %dma_wait3A_239] : memref<6912x128xf32, #tpu.memory_space<hbm>> -> memref<72x128xf32, #tpu.memory_space<hbm>>
        %dma_wait3A_241 = arith.constant 0 : i32
        %dma_wait3A_242 = tpu.memref_slice %arg4[%add3A_86, %dma_wait3A_241] : memref<6912x128xf32, #tpu.memory_space<hbm>> -> memref<72x128xf32, #tpu.memory_space<hbm>>
        tpu.wait_dma2 semaphore(%run_scoped3A : memref<!tpu.dma_semaphore, #tpu.memory_space<semaphore_mem>>) src(%dma_wait3A_242 : memref<72x128xf32, #tpu.memory_space<hbm>>) dst(%arg12 : memref<72x128xf32, #tpu.memory_space<vmem>>)
        tpu.yield
      }) : () -> ()
      %dma_start3A = arith.constant 0 : i32
      %dma_start3A_87 = arith.constant 0 : i32
      %dma_start3A_88 = arith.constant 0 : i32
      %dma_start3A_89 = arith.constant 0 : i32
      %dma_start3A_90 = tpu.memref_slice %arg13[%dma_start3A_87, %dma_start3A_89] : memref<4x128xf32, #tpu.memory_space<vmem>> -> memref<1x128xf32, #tpu.memory_space<vmem>>
      %dma_start3A_91 = tpu.memref_squeeze %dma_start3A_90 : memref<1x128xf32, #tpu.memory_space<vmem>> -> memref<128xf32, #tpu.memory_space<vmem>>
      %dma_start3A_92 = arith.constant 0 : i32
      %dma_start3A_93 = tpu.memref_slice %arg10[%dma_start3A, %dma_start3A_92] : memref<72x128xi32, #tpu.memory_space<vmem>> -> memref<1x128xi32, #tpu.memory_space<vmem>>
      %dma_start3A_94 = tpu.memref_squeeze %dma_start3A_93 : memref<1x128xi32, #tpu.memory_space<vmem>> -> memref<128xi32, #tpu.memory_space<vmem>>
      %dma_start3A_95 = arith.constant 0 : i32
      %dma_start3A_96 = tpu.memref_slice %arg9[%dma_start3A_95] : memref<50176xf32, #tpu.memory_space<vmem_shared>> -> memref<50176xf32, #tpu.memory_space<vmem_shared>>
      %dma_start3A_97 = tpu.memref_slice %arg18[%dma_start3A_88] : memref<4x!tpu.dma_semaphore, #tpu.memory_space<semaphore_mem>> -> memref<1x!tpu.dma_semaphore, #tpu.memory_space<semaphore_mem>>
      %dma_start3A_98 = tpu.memref_squeeze %dma_start3A_97 : memref<1x!tpu.dma_semaphore, #tpu.memory_space<semaphore_mem>> -> memref<!tpu.dma_semaphore, #tpu.memory_space<semaphore_mem>>
      tpu.enqueue_indirect_dma source(%dma_start3A_96 : memref<50176xf32, #tpu.memory_space<vmem_shared>>) target(%dma_start3A_91 : memref<128xf32, #tpu.memory_space<vmem>>) offsets(%dma_start3A_94 : memref<128xi32, #tpu.memory_space<vmem>>) semaphore(%dma_start3A_98 : memref<!tpu.dma_semaphore, #tpu.memory_space<semaphore_mem>>)
      %dma_start3A_99 = arith.constant 0 : i32
      %dma_start3A_100 = arith.constant 0 : i32
      %dma_start3A_101 = arith.constant 0 : i32
      %dma_start3A_102 = arith.constant 0 : i32
      %dma_start3A_103 = arith.constant 0 : i32
      %dma_start3A_104 = tpu.memref_slice %arg14[%dma_start3A_100, %dma_start3A_102, %dma_start3A_103] : memref<4x128x16xf32, #tpu.memory_space<vmem>> -> memref<1x128x16xf32, #tpu.memory_space<vmem>>
      %dma_start3A_105 = tpu.memref_squeeze %dma_start3A_104 : memref<1x128x16xf32, #tpu.memory_space<vmem>> -> memref<128x16xf32, #tpu.memory_space<vmem>>
      %dma_start3A_106 = arith.constant 0 : i32
      %dma_start3A_107 = tpu.memref_slice %arg10[%dma_start3A_99, %dma_start3A_106] : memref<72x128xi32, #tpu.memory_space<vmem>> -> memref<1x128xi32, #tpu.memory_space<vmem>>
      %dma_start3A_108 = tpu.memref_squeeze %dma_start3A_107 : memref<1x128xi32, #tpu.memory_space<vmem>> -> memref<128xi32, #tpu.memory_space<vmem>>
      %dma_start3A_109 = arith.constant 0 : i32
      %dma_start3A_110 = arith.constant 0 : i32
      %dma_start3A_111 = tpu.memref_slice %arg6[%dma_start3A_109, %dma_start3A_110] : memref<50176x16xf32, #tpu.memory_space<hbm>> -> memref<50176x16xf32, #tpu.memory_space<hbm>>
      %dma_start3A_112 = tpu.memref_slice %arg19[%dma_start3A_101] : memref<4x!tpu.dma_semaphore, #tpu.memory_space<semaphore_mem>> -> memref<1x!tpu.dma_semaphore, #tpu.memory_space<semaphore_mem>>
      %dma_start3A_113 = tpu.memref_squeeze %dma_start3A_112 : memref<1x!tpu.dma_semaphore, #tpu.memory_space<semaphore_mem>> -> memref<!tpu.dma_semaphore, #tpu.memory_space<semaphore_mem>>
      tpu.enqueue_indirect_dma source(%dma_start3A_111 : memref<50176x16xf32, #tpu.memory_space<hbm>>) target(%dma_start3A_105 : memref<128x16xf32, #tpu.memory_space<vmem>>) offsets(%dma_start3A_108 : memref<128xi32, #tpu.memory_space<vmem>>) semaphore(%dma_start3A_113 : memref<!tpu.dma_semaphore, #tpu.memory_space<semaphore_mem>>)
      %dma_start3A_114 = arith.constant 1 : i32
      %dma_start3A_115 = arith.constant 1 : i32
      %dma_start3A_116 = arith.constant 1 : i32
      %dma_start3A_117 = arith.constant 0 : i32
      %dma_start3A_118 = tpu.memref_slice %arg13[%dma_start3A_115, %dma_start3A_117] : memref<4x128xf32, #tpu.memory_space<vmem>> -> memref<1x128xf32, #tpu.memory_space<vmem>>
      %dma_start3A_119 = tpu.memref_squeeze %dma_start3A_118 : memref<1x128xf32, #tpu.memory_space<vmem>> -> memref<128xf32, #tpu.memory_space<vmem>>
      %dma_start3A_120 = arith.constant 0 : i32
      %dma_start3A_121 = tpu.memref_slice %arg10[%dma_start3A_114, %dma_start3A_120] : memref<72x128xi32, #tpu.memory_space<vmem>> -> memref<1x128xi32, #tpu.memory_space<vmem>>
      %dma_start3A_122 = tpu.memref_squeeze %dma_start3A_121 : memref<1x128xi32, #tpu.memory_space<vmem>> -> memref<128xi32, #tpu.memory_space<vmem>>
      %dma_start3A_123 = arith.constant 0 : i32
      %dma_start3A_124 = tpu.memref_slice %arg9[%dma_start3A_123] : memref<50176xf32, #tpu.memory_space<vmem_shared>> -> memref<50176xf32, #tpu.memory_space<vmem_shared>>
      %dma_start3A_125 = tpu.memref_slice %arg18[%dma_start3A_116] : memref<4x!tpu.dma_semaphore, #tpu.memory_space<semaphore_mem>> -> memref<1x!tpu.dma_semaphore, #tpu.memory_space<semaphore_mem>>
      %dma_start3A_126 = tpu.memref_squeeze %dma_start3A_125 : memref<1x!tpu.dma_semaphore, #tpu.memory_space<semaphore_mem>> -> memref<!tpu.dma_semaphore, #tpu.memory_space<semaphore_mem>>
      tpu.enqueue_indirect_dma source(%dma_start3A_124 : memref<50176xf32, #tpu.memory_space<vmem_shared>>) target(%dma_start3A_119 : memref<128xf32, #tpu.memory_space<vmem>>) offsets(%dma_start3A_122 : memref<128xi32, #tpu.memory_space<vmem>>) semaphore(%dma_start3A_126 : memref<!tpu.dma_semaphore, #tpu.memory_space<semaphore_mem>>)
      %dma_start3A_127 = arith.constant 1 : i32
      %dma_start3A_128 = arith.constant 1 : i32
      %dma_start3A_129 = arith.constant 1 : i32
      %dma_start3A_130 = arith.constant 0 : i32
      %dma_start3A_131 = arith.constant 0 : i32
      %dma_start3A_132 = tpu.memref_slice %arg14[%dma_start3A_128, %dma_start3A_130, %dma_start3A_131] : memref<4x128x16xf32, #tpu.memory_space<vmem>> -> memref<1x128x16xf32, #tpu.memory_space<vmem>>
      %dma_start3A_133 = tpu.memref_squeeze %dma_start3A_132 : memref<1x128x16xf32, #tpu.memory_space<vmem>> -> memref<128x16xf32, #tpu.memory_space<vmem>>
      %dma_start3A_134 = arith.constant 0 : i32
      %dma_start3A_135 = tpu.memref_slice %arg10[%dma_start3A_127, %dma_start3A_134] : memref<72x128xi32, #tpu.memory_space<vmem>> -> memref<1x128xi32, #tpu.memory_space<vmem>>
      %dma_start3A_136 = tpu.memref_squeeze %dma_start3A_135 : memref<1x128xi32, #tpu.memory_space<vmem>> -> memref<128xi32, #tpu.memory_space<vmem>>
      %dma_start3A_137 = arith.constant 0 : i32
      %dma_start3A_138 = arith.constant 0 : i32
      %dma_start3A_139 = tpu.memref_slice %arg6[%dma_start3A_137, %dma_start3A_138] : memref<50176x16xf32, #tpu.memory_space<hbm>> -> memref<50176x16xf32, #tpu.memory_space<hbm>>
      %dma_start3A_140 = tpu.memref_slice %arg19[%dma_start3A_129] : memref<4x!tpu.dma_semaphore, #tpu.memory_space<semaphore_mem>> -> memref<1x!tpu.dma_semaphore, #tpu.memory_space<semaphore_mem>>
      %dma_start3A_141 = tpu.memref_squeeze %dma_start3A_140 : memref<1x!tpu.dma_semaphore, #tpu.memory_space<semaphore_mem>> -> memref<!tpu.dma_semaphore, #tpu.memory_space<semaphore_mem>>
      tpu.enqueue_indirect_dma source(%dma_start3A_139 : memref<50176x16xf32, #tpu.memory_space<hbm>>) target(%dma_start3A_133 : memref<128x16xf32, #tpu.memory_space<vmem>>) offsets(%dma_start3A_136 : memref<128xi32, #tpu.memory_space<vmem>>) semaphore(%dma_start3A_141 : memref<!tpu.dma_semaphore, #tpu.memory_space<semaphore_mem>>)
      %dma_start3A_142 = arith.constant 2 : i32
      %dma_start3A_143 = arith.constant 2 : i32
      %dma_start3A_144 = arith.constant 2 : i32
      %dma_start3A_145 = arith.constant 0 : i32
      %dma_start3A_146 = tpu.memref_slice %arg13[%dma_start3A_143, %dma_start3A_145] : memref<4x128xf32, #tpu.memory_space<vmem>> -> memref<1x128xf32, #tpu.memory_space<vmem>>
      %dma_start3A_147 = tpu.memref_squeeze %dma_start3A_146 : memref<1x128xf32, #tpu.memory_space<vmem>> -> memref<128xf32, #tpu.memory_space<vmem>>
      %dma_start3A_148 = arith.constant 0 : i32
      %dma_start3A_149 = tpu.memref_slice %arg10[%dma_start3A_142, %dma_start3A_148] : memref<72x128xi32, #tpu.memory_space<vmem>> -> memref<1x128xi32, #tpu.memory_space<vmem>>
      %dma_start3A_150 = tpu.memref_squeeze %dma_start3A_149 : memref<1x128xi32, #tpu.memory_space<vmem>> -> memref<128xi32, #tpu.memory_space<vmem>>
      %dma_start3A_151 = arith.constant 0 : i32
      %dma_start3A_152 = tpu.memref_slice %arg9[%dma_start3A_151] : memref<50176xf32, #tpu.memory_space<vmem_shared>> -> memref<50176xf32, #tpu.memory_space<vmem_shared>>
      %dma_start3A_153 = tpu.memref_slice %arg18[%dma_start3A_144] : memref<4x!tpu.dma_semaphore, #tpu.memory_space<semaphore_mem>> -> memref<1x!tpu.dma_semaphore, #tpu.memory_space<semaphore_mem>>
      %dma_start3A_154 = tpu.memref_squeeze %dma_start3A_153 : memref<1x!tpu.dma_semaphore, #tpu.memory_space<semaphore_mem>> -> memref<!tpu.dma_semaphore, #tpu.memory_space<semaphore_mem>>
      tpu.enqueue_indirect_dma source(%dma_start3A_152 : memref<50176xf32, #tpu.memory_space<vmem_shared>>) target(%dma_start3A_147 : memref<128xf32, #tpu.memory_space<vmem>>) offsets(%dma_start3A_150 : memref<128xi32, #tpu.memory_space<vmem>>) semaphore(%dma_start3A_154 : memref<!tpu.dma_semaphore, #tpu.memory_space<semaphore_mem>>)
      %dma_start3A_155 = arith.constant 2 : i32
      %dma_start3A_156 = arith.constant 2 : i32
      %dma_start3A_157 = arith.constant 2 : i32
      %dma_start3A_158 = arith.constant 0 : i32
      %dma_start3A_159 = arith.constant 0 : i32
      %dma_start3A_160 = tpu.memref_slice %arg14[%dma_start3A_156, %dma_start3A_158, %dma_start3A_159] : memref<4x128x16xf32, #tpu.memory_space<vmem>> -> memref<1x128x16xf32, #tpu.memory_space<vmem>>
      %dma_start3A_161 = tpu.memref_squeeze %dma_start3A_160 : memref<1x128x16xf32, #tpu.memory_space<vmem>> -> memref<128x16xf32, #tpu.memory_space<vmem>>
      %dma_start3A_162 = arith.constant 0 : i32
      %dma_start3A_163 = tpu.memref_slice %arg10[%dma_start3A_155, %dma_start3A_162] : memref<72x128xi32, #tpu.memory_space<vmem>> -> memref<1x128xi32, #tpu.memory_space<vmem>>
      %dma_start3A_164 = tpu.memref_squeeze %dma_start3A_163 : memref<1x128xi32, #tpu.memory_space<vmem>> -> memref<128xi32, #tpu.memory_space<vmem>>
      %dma_start3A_165 = arith.constant 0 : i32
      %dma_start3A_166 = arith.constant 0 : i32
      %dma_start3A_167 = tpu.memref_slice %arg6[%dma_start3A_165, %dma_start3A_166] : memref<50176x16xf32, #tpu.memory_space<hbm>> -> memref<50176x16xf32, #tpu.memory_space<hbm>>
      %dma_start3A_168 = tpu.memref_slice %arg19[%dma_start3A_157] : memref<4x!tpu.dma_semaphore, #tpu.memory_space<semaphore_mem>> -> memref<1x!tpu.dma_semaphore, #tpu.memory_space<semaphore_mem>>
      %dma_start3A_169 = tpu.memref_squeeze %dma_start3A_168 : memref<1x!tpu.dma_semaphore, #tpu.memory_space<semaphore_mem>> -> memref<!tpu.dma_semaphore, #tpu.memory_space<semaphore_mem>>
      tpu.enqueue_indirect_dma source(%dma_start3A_167 : memref<50176x16xf32, #tpu.memory_space<hbm>>) target(%dma_start3A_161 : memref<128x16xf32, #tpu.memory_space<vmem>>) offsets(%dma_start3A_164 : memref<128xi32, #tpu.memory_space<vmem>>) semaphore(%dma_start3A_169 : memref<!tpu.dma_semaphore, #tpu.memory_space<semaphore_mem>>)
      %dma_start3A_170 = arith.constant 3 : i32
      %dma_start3A_171 = arith.constant 3 : i32
      %dma_start3A_172 = arith.constant 3 : i32
      %dma_start3A_173 = arith.constant 0 : i32
      %dma_start3A_174 = tpu.memref_slice %arg13[%dma_start3A_171, %dma_start3A_173] : memref<4x128xf32, #tpu.memory_space<vmem>> -> memref<1x128xf32, #tpu.memory_space<vmem>>
      %dma_start3A_175 = tpu.memref_squeeze %dma_start3A_174 : memref<1x128xf32, #tpu.memory_space<vmem>> -> memref<128xf32, #tpu.memory_space<vmem>>
      %dma_start3A_176 = arith.constant 0 : i32
      %dma_start3A_177 = tpu.memref_slice %arg10[%dma_start3A_170, %dma_start3A_176] : memref<72x128xi32, #tpu.memory_space<vmem>> -> memref<1x128xi32, #tpu.memory_space<vmem>>
      %dma_start3A_178 = tpu.memref_squeeze %dma_start3A_177 : memref<1x128xi32, #tpu.memory_space<vmem>> -> memref<128xi32, #tpu.memory_space<vmem>>
      %dma_start3A_179 = arith.constant 0 : i32
      %dma_start3A_180 = tpu.memref_slice %arg9[%dma_start3A_179] : memref<50176xf32, #tpu.memory_space<vmem_shared>> -> memref<50176xf32, #tpu.memory_space<vmem_shared>>
      %dma_start3A_181 = tpu.memref_slice %arg18[%dma_start3A_172] : memref<4x!tpu.dma_semaphore, #tpu.memory_space<semaphore_mem>> -> memref<1x!tpu.dma_semaphore, #tpu.memory_space<semaphore_mem>>
      %dma_start3A_182 = tpu.memref_squeeze %dma_start3A_181 : memref<1x!tpu.dma_semaphore, #tpu.memory_space<semaphore_mem>> -> memref<!tpu.dma_semaphore, #tpu.memory_space<semaphore_mem>>
      tpu.enqueue_indirect_dma source(%dma_start3A_180 : memref<50176xf32, #tpu.memory_space<vmem_shared>>) target(%dma_start3A_175 : memref<128xf32, #tpu.memory_space<vmem>>) offsets(%dma_start3A_178 : memref<128xi32, #tpu.memory_space<vmem>>) semaphore(%dma_start3A_182 : memref<!tpu.dma_semaphore, #tpu.memory_space<semaphore_mem>>)
      %dma_start3A_183 = arith.constant 3 : i32
      %dma_start3A_184 = arith.constant 3 : i32
      %dma_start3A_185 = arith.constant 3 : i32
      %dma_start3A_186 = arith.constant 0 : i32
      %dma_start3A_187 = arith.constant 0 : i32
      %dma_start3A_188 = tpu.memref_slice %arg14[%dma_start3A_184, %dma_start3A_186, %dma_start3A_187] : memref<4x128x16xf32, #tpu.memory_space<vmem>> -> memref<1x128x16xf32, #tpu.memory_space<vmem>>
      %dma_start3A_189 = tpu.memref_squeeze %dma_start3A_188 : memref<1x128x16xf32, #tpu.memory_space<vmem>> -> memref<128x16xf32, #tpu.memory_space<vmem>>
      %dma_start3A_190 = arith.constant 0 : i32
      %dma_start3A_191 = tpu.memref_slice %arg10[%dma_start3A_183, %dma_start3A_190] : memref<72x128xi32, #tpu.memory_space<vmem>> -> memref<1x128xi32, #tpu.memory_space<vmem>>
      %dma_start3A_192 = tpu.memref_squeeze %dma_start3A_191 : memref<1x128xi32, #tpu.memory_space<vmem>> -> memref<128xi32, #tpu.memory_space<vmem>>
      %dma_start3A_193 = arith.constant 0 : i32
      %dma_start3A_194 = arith.constant 0 : i32
      %dma_start3A_195 = tpu.memref_slice %arg6[%dma_start3A_193, %dma_start3A_194] : memref<50176x16xf32, #tpu.memory_space<hbm>> -> memref<50176x16xf32, #tpu.memory_space<hbm>>
      %dma_start3A_196 = tpu.memref_slice %arg19[%dma_start3A_185] : memref<4x!tpu.dma_semaphore, #tpu.memory_space<semaphore_mem>> -> memref<1x!tpu.dma_semaphore, #tpu.memory_space<semaphore_mem>>
      %dma_start3A_197 = tpu.memref_squeeze %dma_start3A_196 : memref<1x!tpu.dma_semaphore, #tpu.memory_space<semaphore_mem>> -> memref<!tpu.dma_semaphore, #tpu.memory_space<semaphore_mem>>
      tpu.enqueue_indirect_dma source(%dma_start3A_195 : memref<50176x16xf32, #tpu.memory_space<hbm>>) target(%dma_start3A_189 : memref<128x16xf32, #tpu.memory_space<vmem>>) offsets(%dma_start3A_192 : memref<128xi32, #tpu.memory_space<vmem>>) semaphore(%dma_start3A_197 : memref<!tpu.dma_semaphore, #tpu.memory_space<semaphore_mem>>)
      %scan3A_198 = arith.constant 0 : i32
      %scan3A_199 = arith.constant 0 : i32
      %scan3A_200 = arith.constant 72 : i32
      %scan3A_201 = arith.addi %scan3A_199, %scan3A_200 : i32
      %scan3A_202 = arith.constant 1 : i32
      %scan3A_203 = scf.for %scan3A_235 = %scan3A_199 to %scan3A_201 step %scan3A_202 iter_args(%scan3A_236 = %scan3A_198) -> (i32)  : i32 {
        %jit3A = arith.constant 4 : i32
        %eq3A = arith.constant 0 : i32
        %eq3A_237 = arith.cmpi eq, %jit3A, %eq3A : i32
        %jit3A_238 = arith.constant 1 : i32
        %select_n3A = arith.select %eq3A_237, %jit3A_238, %jit3A : i32
        %rem3A = arith.remsi %scan3A_235, %select_n3A : i32
        %ne3A = arith.constant 0 : i32
        %ne3A_239 = arith.cmpi ne, %rem3A, %ne3A : i32
        %lt3A = arith.constant 0 : i32
        %lt3A_240 = arith.cmpi slt, %rem3A, %lt3A : i32
        %lt3A_241 = arith.constant 0 : i32
        %lt3A_242 = arith.cmpi slt, %select_n3A, %lt3A_241 : i32
        %ne3A_243 = arith.xori %lt3A_240, %lt3A_242 : i1
        %and3A = arith.andi %ne3A_243, %ne3A_239 : i1
        %add3A_244 = arith.addi %rem3A, %select_n3A : i32
        %select_n3A_245 = arith.select %and3A, %add3A_244, %rem3A : i32
        %jit3A_246 = arith.constant 2 : i32
        %eq3A_247 = arith.constant 0 : i32
        %eq3A_248 = arith.cmpi eq, %jit3A_246, %eq3A_247 : i32
        %jit3A_249 = arith.constant 1 : i32
        %select_n3A_250 = arith.select %eq3A_248, %jit3A_249, %jit3A_246 : i32
        %rem3A_251 = arith.remsi %scan3A_235, %select_n3A_250 : i32
        %ne3A_252 = arith.constant 0 : i32
        %ne3A_253 = arith.cmpi ne, %rem3A_251, %ne3A_252 : i32
        %lt3A_254 = arith.constant 0 : i32
        %lt3A_255 = arith.cmpi slt, %rem3A_251, %lt3A_254 : i32
        %lt3A_256 = arith.constant 0 : i32
        %lt3A_257 = arith.cmpi slt, %select_n3A_250, %lt3A_256 : i32
        %ne3A_258 = arith.xori %lt3A_255, %lt3A_257 : i1
        %and3A_259 = arith.andi %ne3A_258, %ne3A_253 : i1
        %add3A_260 = arith.addi %rem3A_251, %select_n3A_250 : i32
        %select_n3A_261 = arith.select %and3A_259, %add3A_260, %rem3A_251 : i32
        %dma_wait3A_262 = arith.constant 0 : i32
        %dma_wait3A_263 = tpu.memref_slice %arg13[%select_n3A_245, %dma_wait3A_262] : memref<4x128xf32, #tpu.memory_space<vmem>> -> memref<1x128xf32, #tpu.memory_space<vmem>>
        %dma_wait3A_264 = tpu.memref_squeeze %dma_wait3A_263 : memref<1x128xf32, #tpu.memory_space<vmem>> -> memref<128xf32, #tpu.memory_space<vmem>>
        %dma_wait3A_265 = arith.constant 0 : i32
        %dma_wait3A_266 = tpu.memref_slice %arg10[%scan3A_235, %dma_wait3A_265] : memref<72x128xi32, #tpu.memory_space<vmem>> -> memref<1x128xi32, #tpu.memory_space<vmem>>
        %dma_wait3A_267 = tpu.memref_squeeze %dma_wait3A_266 : memref<1x128xi32, #tpu.memory_space<vmem>> -> memref<128xi32, #tpu.memory_space<vmem>>
        %dma_wait3A_268 = arith.constant 0 : i32
        %dma_wait3A_269 = tpu.memref_slice %arg9[%dma_wait3A_268] : memref<50176xf32, #tpu.memory_space<vmem_shared>> -> memref<50176xf32, #tpu.memory_space<vmem_shared>>
        %dma_wait3A_270 = tpu.memref_slice %arg18[%select_n3A_245] : memref<4x!tpu.dma_semaphore, #tpu.memory_space<semaphore_mem>> -> memref<1x!tpu.dma_semaphore, #tpu.memory_space<semaphore_mem>>
        %dma_wait3A_271 = tpu.memref_squeeze %dma_wait3A_270 : memref<1x!tpu.dma_semaphore, #tpu.memory_space<semaphore_mem>> -> memref<!tpu.dma_semaphore, #tpu.memory_space<semaphore_mem>>
        tpu.wait_indirect_dma semaphore(%dma_wait3A_271 : memref<!tpu.dma_semaphore, #tpu.memory_space<semaphore_mem>>) src(%dma_wait3A_269 : memref<50176xf32, #tpu.memory_space<vmem_shared>>) dst(%dma_wait3A_264 : memref<128xf32, #tpu.memory_space<vmem>>)
        %dma_wait3A_272 = arith.constant 0 : i32
        %dma_wait3A_273 = arith.constant 0 : i32
        %dma_wait3A_274 = tpu.memref_slice %arg14[%select_n3A_245, %dma_wait3A_272, %dma_wait3A_273] : memref<4x128x16xf32, #tpu.memory_space<vmem>> -> memref<1x128x16xf32, #tpu.memory_space<vmem>>
        %dma_wait3A_275 = tpu.memref_squeeze %dma_wait3A_274 : memref<1x128x16xf32, #tpu.memory_space<vmem>> -> memref<128x16xf32, #tpu.memory_space<vmem>>
        %dma_wait3A_276 = arith.constant 0 : i32
        %dma_wait3A_277 = tpu.memref_slice %arg10[%scan3A_235, %dma_wait3A_276] : memref<72x128xi32, #tpu.memory_space<vmem>> -> memref<1x128xi32, #tpu.memory_space<vmem>>
        %dma_wait3A_278 = tpu.memref_squeeze %dma_wait3A_277 : memref<1x128xi32, #tpu.memory_space<vmem>> -> memref<128xi32, #tpu.memory_space<vmem>>
        %dma_wait3A_279 = arith.constant 0 : i32
        %dma_wait3A_280 = arith.constant 0 : i32
        %dma_wait3A_281 = tpu.memref_slice %arg6[%dma_wait3A_279, %dma_wait3A_280] : memref<50176x16xf32, #tpu.memory_space<hbm>> -> memref<50176x16xf32, #tpu.memory_space<hbm>>
        %dma_wait3A_282 = tpu.memref_slice %arg19[%select_n3A_245] : memref<4x!tpu.dma_semaphore, #tpu.memory_space<semaphore_mem>> -> memref<1x!tpu.dma_semaphore, #tpu.memory_space<semaphore_mem>>
        %dma_wait3A_283 = tpu.memref_squeeze %dma_wait3A_282 : memref<1x!tpu.dma_semaphore, #tpu.memory_space<semaphore_mem>> -> memref<!tpu.dma_semaphore, #tpu.memory_space<semaphore_mem>>
        tpu.wait_indirect_dma semaphore(%dma_wait3A_283 : memref<!tpu.dma_semaphore, #tpu.memory_space<semaphore_mem>>) src(%dma_wait3A_281 : memref<50176x16xf32, #tpu.memory_space<hbm>>) dst(%dma_wait3A_275 : memref<128x16xf32, #tpu.memory_space<vmem>>)
        %ge3A = arith.constant 2 : i32
        %ge3A_284 = arith.cmpi sge, %scan3A_235, %ge3A : i32
        %convert_element_type3A = arith.extui %ge3A_284 : i1 to i32
        %cond3A = arith.constant 0 : i32
        %cond3A_285 = arith.cmpi ne, %convert_element_type3A, %cond3A : i32
        scf.if %cond3A_285 {
          %dma_wait3A_313 = arith.constant 0 : i32
          %dma_wait3A_314 = arith.constant 0 : i32
          %dma_wait3A_315 = tpu.memref_slice %arg15[%select_n3A_261, %dma_wait3A_313, %dma_wait3A_314] : memref<2x128x16xf32, #tpu.memory_space<vmem>> -> memref<1x128x16xf32, #tpu.memory_space<vmem>>
          %dma_wait3A_316 = tpu.memref_squeeze %dma_wait3A_315 : memref<1x128x16xf32, #tpu.memory_space<vmem>> -> memref<128x16xf32, #tpu.memory_space<vmem>>
          %dma_wait3A_317 = arith.constant 0 : i32
          %dma_wait3A_318 = tpu.memref_slice %arg11[%scan3A_235, %dma_wait3A_317] : memref<72x128xi32, #tpu.memory_space<vmem>> -> memref<1x128xi32, #tpu.memory_space<vmem>>
          %dma_wait3A_319 = tpu.memref_squeeze %dma_wait3A_318 : memref<1x128xi32, #tpu.memory_space<vmem>> -> memref<128xi32, #tpu.memory_space<vmem>>
          %dma_wait3A_320 = arith.constant 0 : i32
          %dma_wait3A_321 = arith.constant 0 : i32
          %dma_wait3A_322 = tpu.memref_slice %arg8[%dma_wait3A_320, %dma_wait3A_321] : memref<50176x16xf32, #tpu.memory_space<vmem_shared>> -> memref<50176x16xf32, #tpu.memory_space<vmem_shared>>
          %dma_wait3A_323 = tpu.memref_slice %arg20[%select_n3A_261] : memref<2x!tpu.dma_semaphore, #tpu.memory_space<semaphore_mem>> -> memref<1x!tpu.dma_semaphore, #tpu.memory_space<semaphore_mem>>
          %dma_wait3A_324 = tpu.memref_squeeze %dma_wait3A_323 : memref<1x!tpu.dma_semaphore, #tpu.memory_space<semaphore_mem>> -> memref<!tpu.dma_semaphore, #tpu.memory_space<semaphore_mem>>
          tpu.wait_indirect_dma semaphore(%dma_wait3A_324 : memref<!tpu.dma_semaphore, #tpu.memory_space<semaphore_mem>>) src(%dma_wait3A_316 : memref<128x16xf32, #tpu.memory_space<vmem>>) dst(%dma_wait3A_322 : memref<50176x16xf32, #tpu.memory_space<vmem_shared>>)
        } else {
        }
        %scan3A_286 = arith.constant 0 : i32
        %scan3A_287 = arith.constant 0 : i32
        %scan3A_288 = arith.constant 8 : i32
        %scan3A_289 = arith.addi %scan3A_287, %scan3A_288 : i32
        %scan3A_290 = arith.constant 1 : i32
        %scan3A_291 = scf.for %scan3A_313 = %scan3A_287 to %scan3A_289 step %scan3A_290 iter_args(%scan3A_314 = %scan3A_286) -> (i32)  : i32 {
          %mul3A_315 = arith.constant 16 : i32
          %mul3A_316 = arith.muli %scan3A_313, %mul3A_315 : i32
          %get3A = arith.index_cast %select_n3A_245 : i32 to index
          %get3A_317 = arith.index_cast %mul3A_316 : i32 to index
          %get3A_318 = tpu.vector_load %arg13[%get3A, %get3A_317] {strides = array<i32>} : memref<4x128xf32, #tpu.memory_space<vmem>>, vector<16xf32>,
          %get3A_319 = arith.index_cast %scan3A_235 : i32 to index
          %get3A_320 = arith.index_cast %mul3A_316 : i32 to index
          %get3A_321 = tpu.vector_load %arg12[%get3A_319, %get3A_320] {strides = array<i32>} : memref<72x128xf32, #tpu.memory_space<vmem>>, vector<16xf32>,
          %mul3A_322 = arith.mulf %get3A_318, %get3A_321 : vector<16xf32>
          %add3A_323 = arith.constant 0 : i32
          %add3A_324 = arith.addi %mul3A_316, %add3A_323 : i32
          %get3A_325 = arith.index_cast %select_n3A_245 : i32 to index
          %get3A_326 = arith.index_cast %add3A_324 : i32 to index
          %get3A_327 = arith.constant 0 : index
          %get3A_328 = tpu.vector_load %arg14[%get3A_325, %get3A_326, %get3A_327] {strides = array<i32>} : memref<4x128x16xf32, #tpu.memory_space<vmem>>, vector<16xf32>,
          %slice3A = vector.extract_strided_slice %mul3A_322 {offsets = [0], sizes = [1], strides = [1]} : vector<16xf32> to vector<1xf32>
          %squeeze3A = vector.extract %slice3A[0] : f32 from vector<1xf32>
          %mul3A_329 = vector.broadcast %squeeze3A : f32 to vector<16xf32>
          %mul3A_330 = arith.mulf %get3A_328, %mul3A_329 : vector<16xf32>
          %add3A_331 = arith.constant 0 : i32
          %add3A_332 = arith.addi %mul3A_316, %add3A_331 : i32
          %swap3A = arith.index_cast %select_n3A_261 : i32 to index
          %swap3A_333 = arith.index_cast %add3A_332 : i32 to index
          %swap3A_334 = arith.constant 0 : index
          %swap3A_335 = tpu.vector_load %arg15[%swap3A, %swap3A_333, %swap3A_334] {strides = array<i32>} : memref<2x128x16xf32, #tpu.memory_space<vmem>>, vector<16xf32>,
          tpu.vector_store %arg15[%swap3A, %swap3A_333, %swap3A_334], %mul3A_330 {strides = array<i32>} : memref<2x128x16xf32, #tpu.memory_space<vmem>>, vector<16xf32>,
          %add3A_336 = arith.constant 1 : i32
          %add3A_337 = arith.addi %mul3A_316, %add3A_336 : i32
          %get3A_338 = arith.index_cast %select_n3A_245 : i32 to index
          %get3A_339 = arith.index_cast %add3A_337 : i32 to index
          %get3A_340 = arith.constant 0 : index
          %get3A_341 = tpu.vector_load %arg14[%get3A_338, %get3A_339, %get3A_340] {strides = array<i32>} : memref<4x128x16xf32, #tpu.memory_space<vmem>>, vector<16xf32>,
          %slice3A_342 = vector.extract_strided_slice %mul3A_322 {offsets = [1], sizes = [1], strides = [1]} : vector<16xf32> to vector<1xf32>
          %squeeze3A_343 = vector.extract %slice3A_342[0] : f32 from vector<1xf32>
          %mul3A_344 = vector.broadcast %squeeze3A_343 : f32 to vector<16xf32>
          %mul3A_345 = arith.mulf %get3A_341, %mul3A_344 : vector<16xf32>
          %add3A_346 = arith.constant 1 : i32
          %add3A_347 = arith.addi %mul3A_316, %add3A_346 : i32
          %swap3A_348 = arith.index_cast %select_n3A_261 : i32 to index
          %swap3A_349 = arith.index_cast %add3A_347 : i32 to index
          %swap3A_350 = arith.constant 0 : index
          %swap3A_351 = tpu.vector_load %arg15[%swap3A_348, %swap3A_349, %swap3A_350] {strides = array<i32>} : memref<2x128x16xf32, #tpu.memory_space<vmem>>, vector<16xf32>,
          tpu.vector_store %arg15[%swap3A_348, %swap3A_349, %swap3A_350], %mul3A_345 {strides = array<i32>} : memref<2x128x16xf32, #tpu.memory_space<vmem>>, vector<16xf32>,
          %add3A_352 = arith.constant 2 : i32
          %add3A_353 = arith.addi %mul3A_316, %add3A_352 : i32
          %get3A_354 = arith.index_cast %select_n3A_245 : i32 to index
          %get3A_355 = arith.index_cast %add3A_353 : i32 to index
          %get3A_356 = arith.constant 0 : index
          %get3A_357 = tpu.vector_load %arg14[%get3A_354, %get3A_355, %get3A_356] {strides = array<i32>} : memref<4x128x16xf32, #tpu.memory_space<vmem>>, vector<16xf32>,
          %slice3A_358 = vector.extract_strided_slice %mul3A_322 {offsets = [2], sizes = [1], strides = [1]} : vector<16xf32> to vector<1xf32>
          %squeeze3A_359 = vector.extract %slice3A_358[0] : f32 from vector<1xf32>
          %mul3A_360 = vector.broadcast %squeeze3A_359 : f32 to vector<16xf32>
          %mul3A_361 = arith.mulf %get3A_357, %mul3A_360 : vector<16xf32>
          %add3A_362 = arith.constant 2 : i32
          %add3A_363 = arith.addi %mul3A_316, %add3A_362 : i32
          %swap3A_364 = arith.index_cast %select_n3A_261 : i32 to index
          %swap3A_365 = arith.index_cast %add3A_363 : i32 to index
          %swap3A_366 = arith.constant 0 : index
          %swap3A_367 = tpu.vector_load %arg15[%swap3A_364, %swap3A_365, %swap3A_366] {strides = array<i32>} : memref<2x128x16xf32, #tpu.memory_space<vmem>>, vector<16xf32>,
          tpu.vector_store %arg15[%swap3A_364, %swap3A_365, %swap3A_366], %mul3A_361 {strides = array<i32>} : memref<2x128x16xf32, #tpu.memory_space<vmem>>, vector<16xf32>,
          %add3A_368 = arith.constant 3 : i32
          %add3A_369 = arith.addi %mul3A_316, %add3A_368 : i32
          %get3A_370 = arith.index_cast %select_n3A_245 : i32 to index
          %get3A_371 = arith.index_cast %add3A_369 : i32 to index
          %get3A_372 = arith.constant 0 : index
          %get3A_373 = tpu.vector_load %arg14[%get3A_370, %get3A_371, %get3A_372] {strides = array<i32>} : memref<4x128x16xf32, #tpu.memory_space<vmem>>, vector<16xf32>,
          %slice3A_374 = vector.extract_strided_slice %mul3A_322 {offsets = [3], sizes = [1], strides = [1]} : vector<16xf32> to vector<1xf32>
          %squeeze3A_375 = vector.extract %slice3A_374[0] : f32 from vector<1xf32>
          %mul3A_376 = vector.broadcast %squeeze3A_375 : f32 to vector<16xf32>
          %mul3A_377 = arith.mulf %get3A_373, %mul3A_376 : vector<16xf32>
          %add3A_378 = arith.constant 3 : i32
          %add3A_379 = arith.addi %mul3A_316, %add3A_378 : i32
          %swap3A_380 = arith.index_cast %select_n3A_261 : i32 to index
          %swap3A_381 = arith.index_cast %add3A_379 : i32 to index
          %swap3A_382 = arith.constant 0 : index
          %swap3A_383 = tpu.vector_load %arg15[%swap3A_380, %swap3A_381, %swap3A_382] {strides = array<i32>} : memref<2x128x16xf32, #tpu.memory_space<vmem>>, vector<16xf32>,
          tpu.vector_store %arg15[%swap3A_380, %swap3A_381, %swap3A_382], %mul3A_377 {strides = array<i32>} : memref<2x128x16xf32, #tpu.memory_space<vmem>>, vector<16xf32>,
          %add3A_384 = arith.constant 4 : i32
          %add3A_385 = arith.addi %mul3A_316, %add3A_384 : i32
          %get3A_386 = arith.index_cast %select_n3A_245 : i32 to index
          %get3A_387 = arith.index_cast %add3A_385 : i32 to index
          %get3A_388 = arith.constant 0 : index
          %get3A_389 = tpu.vector_load %arg14[%get3A_386, %get3A_387, %get3A_388] {strides = array<i32>} : memref<4x128x16xf32, #tpu.memory_space<vmem>>, vector<16xf32>,
          %slice3A_390 = vector.extract_strided_slice %mul3A_322 {offsets = [4], sizes = [1], strides = [1]} : vector<16xf32> to vector<1xf32>
          %squeeze3A_391 = vector.extract %slice3A_390[0] : f32 from vector<1xf32>
          %mul3A_392 = vector.broadcast %squeeze3A_391 : f32 to vector<16xf32>
          %mul3A_393 = arith.mulf %get3A_389, %mul3A_392 : vector<16xf32>
          %add3A_394 = arith.constant 4 : i32
          %add3A_395 = arith.addi %mul3A_316, %add3A_394 : i32
          %swap3A_396 = arith.index_cast %select_n3A_261 : i32 to index
          %swap3A_397 = arith.index_cast %add3A_395 : i32 to index
          %swap3A_398 = arith.constant 0 : index
          %swap3A_399 = tpu.vector_load %arg15[%swap3A_396, %swap3A_397, %swap3A_398] {strides = array<i32>} : memref<2x128x16xf32, #tpu.memory_space<vmem>>, vector<16xf32>,
          tpu.vector_store %arg15[%swap3A_396, %swap3A_397, %swap3A_398], %mul3A_393 {strides = array<i32>} : memref<2x128x16xf32, #tpu.memory_space<vmem>>, vector<16xf32>,
          %add3A_400 = arith.constant 5 : i32
          %add3A_401 = arith.addi %mul3A_316, %add3A_400 : i32
          %get3A_402 = arith.index_cast %select_n3A_245 : i32 to index
          %get3A_403 = arith.index_cast %add3A_401 : i32 to index
          %get3A_404 = arith.constant 0 : index
          %get3A_405 = tpu.vector_load %arg14[%get3A_402, %get3A_403, %get3A_404] {strides = array<i32>} : memref<4x128x16xf32, #tpu.memory_space<vmem>>, vector<16xf32>,
          %slice3A_406 = vector.extract_strided_slice %mul3A_322 {offsets = [5], sizes = [1], strides = [1]} : vector<16xf32> to vector<1xf32>
          %squeeze3A_407 = vector.extract %slice3A_406[0] : f32 from vector<1xf32>
          %mul3A_408 = vector.broadcast %squeeze3A_407 : f32 to vector<16xf32>
          %mul3A_409 = arith.mulf %get3A_405, %mul3A_408 : vector<16xf32>
          %add3A_410 = arith.constant 5 : i32
          %add3A_411 = arith.addi %mul3A_316, %add3A_410 : i32
          %swap3A_412 = arith.index_cast %select_n3A_261 : i32 to index
          %swap3A_413 = arith.index_cast %add3A_411 : i32 to index
          %swap3A_414 = arith.constant 0 : index
          %swap3A_415 = tpu.vector_load %arg15[%swap3A_412, %swap3A_413, %swap3A_414] {strides = array<i32>} : memref<2x128x16xf32, #tpu.memory_space<vmem>>, vector<16xf32>,
          tpu.vector_store %arg15[%swap3A_412, %swap3A_413, %swap3A_414], %mul3A_409 {strides = array<i32>} : memref<2x128x16xf32, #tpu.memory_space<vmem>>, vector<16xf32>,
          %add3A_416 = arith.constant 6 : i32
          %add3A_417 = arith.addi %mul3A_316, %add3A_416 : i32
          %get3A_418 = arith.index_cast %select_n3A_245 : i32 to index
          %get3A_419 = arith.index_cast %add3A_417 : i32 to index
          %get3A_420 = arith.constant 0 : index
          %get3A_421 = tpu.vector_load %arg14[%get3A_418, %get3A_419, %get3A_420] {strides = array<i32>} : memref<4x128x16xf32, #tpu.memory_space<vmem>>, vector<16xf32>,
          %slice3A_422 = vector.extract_strided_slice %mul3A_322 {offsets = [6], sizes = [1], strides = [1]} : vector<16xf32> to vector<1xf32>
          %squeeze3A_423 = vector.extract %slice3A_422[0] : f32 from vector<1xf32>
          %mul3A_424 = vector.broadcast %squeeze3A_423 : f32 to vector<16xf32>
          %mul3A_425 = arith.mulf %get3A_421, %mul3A_424 : vector<16xf32>
          %add3A_426 = arith.constant 6 : i32
          %add3A_427 = arith.addi %mul3A_316, %add3A_426 : i32
          %swap3A_428 = arith.index_cast %select_n3A_261 : i32 to index
          %swap3A_429 = arith.index_cast %add3A_427 : i32 to index
          %swap3A_430 = arith.constant 0 : index
          %swap3A_431 = tpu.vector_load %arg15[%swap3A_428, %swap3A_429, %swap3A_430] {strides = array<i32>} : memref<2x128x16xf32, #tpu.memory_space<vmem>>, vector<16xf32>,
          tpu.vector_store %arg15[%swap3A_428, %swap3A_429, %swap3A_430], %mul3A_425 {strides = array<i32>} : memref<2x128x16xf32, #tpu.memory_space<vmem>>, vector<16xf32>,
          %add3A_432 = arith.constant 7 : i32
          %add3A_433 = arith.addi %mul3A_316, %add3A_432 : i32
          %get3A_434 = arith.index_cast %select_n3A_245 : i32 to index
          %get3A_435 = arith.index_cast %add3A_433 : i32 to index
          %get3A_436 = arith.constant 0 : index
          %get3A_437 = tpu.vector_load %arg14[%get3A_434, %get3A_435, %get3A_436] {strides = array<i32>} : memref<4x128x16xf32, #tpu.memory_space<vmem>>, vector<16xf32>,
          %slice3A_438 = vector.extract_strided_slice %mul3A_322 {offsets = [7], sizes = [1], strides = [1]} : vector<16xf32> to vector<1xf32>
          %squeeze3A_439 = vector.extract %slice3A_438[0] : f32 from vector<1xf32>
          %mul3A_440 = vector.broadcast %squeeze3A_439 : f32 to vector<16xf32>
          %mul3A_441 = arith.mulf %get3A_437, %mul3A_440 : vector<16xf32>
          %add3A_442 = arith.constant 7 : i32
          %add3A_443 = arith.addi %mul3A_316, %add3A_442 : i32
          %swap3A_444 = arith.index_cast %select_n3A_261 : i32 to index
          %swap3A_445 = arith.index_cast %add3A_443 : i32 to index
          %swap3A_446 = arith.constant 0 : index
          %swap3A_447 = tpu.vector_load %arg15[%swap3A_444, %swap3A_445, %swap3A_446] {strides = array<i32>} : memref<2x128x16xf32, #tpu.memory_space<vmem>>, vector<16xf32>,
          tpu.vector_store %arg15[%swap3A_444, %swap3A_445, %swap3A_446], %mul3A_441 {strides = array<i32>} : memref<2x128x16xf32, #tpu.memory_space<vmem>>, vector<16xf32>,
          %add3A_448 = arith.constant 8 : i32
          %add3A_449 = arith.addi %mul3A_316, %add3A_448 : i32
          %get3A_450 = arith.index_cast %select_n3A_245 : i32 to index
          %get3A_451 = arith.index_cast %add3A_449 : i32 to index
          %get3A_452 = arith.constant 0 : index
          %get3A_453 = tpu.vector_load %arg14[%get3A_450, %get3A_451, %get3A_452] {strides = array<i32>} : memref<4x128x16xf32, #tpu.memory_space<vmem>>, vector<16xf32>,
          %slice3A_454 = vector.extract_strided_slice %mul3A_322 {offsets = [8], sizes = [1], strides = [1]} : vector<16xf32> to vector<1xf32>
          %squeeze3A_455 = vector.extract %slice3A_454[0] : f32 from vector<1xf32>
          %mul3A_456 = vector.broadcast %squeeze3A_455 : f32 to vector<16xf32>
          %mul3A_457 = arith.mulf %get3A_453, %mul3A_456 : vector<16xf32>
          %add3A_458 = arith.constant 8 : i32
          %add3A_459 = arith.addi %mul3A_316, %add3A_458 : i32
          %swap3A_460 = arith.index_cast %select_n3A_261 : i32 to index
          %swap3A_461 = arith.index_cast %add3A_459 : i32 to index
          %swap3A_462 = arith.constant 0 : index
          %swap3A_463 = tpu.vector_load %arg15[%swap3A_460, %swap3A_461, %swap3A_462] {strides = array<i32>} : memref<2x128x16xf32, #tpu.memory_space<vmem>>, vector<16xf32>,
          tpu.vector_store %arg15[%swap3A_460, %swap3A_461, %swap3A_462], %mul3A_457 {strides = array<i32>} : memref<2x128x16xf32, #tpu.memory_space<vmem>>, vector<16xf32>,
          %add3A_464 = arith.constant 9 : i32
          %add3A_465 = arith.addi %mul3A_316, %add3A_464 : i32
          %get3A_466 = arith.index_cast %select_n3A_245 : i32 to index
          %get3A_467 = arith.index_cast %add3A_465 : i32 to index
          %get3A_468 = arith.constant 0 : index
          %get3A_469 = tpu.vector_load %arg14[%get3A_466, %get3A_467, %get3A_468] {strides = array<i32>} : memref<4x128x16xf32, #tpu.memory_space<vmem>>, vector<16xf32>,
          %slice3A_470 = vector.extract_strided_slice %mul3A_322 {offsets = [9], sizes = [1], strides = [1]} : vector<16xf32> to vector<1xf32>
          %squeeze3A_471 = vector.extract %slice3A_470[0] : f32 from vector<1xf32>
          %mul3A_472 = vector.broadcast %squeeze3A_471 : f32 to vector<16xf32>
          %mul3A_473 = arith.mulf %get3A_469, %mul3A_472 : vector<16xf32>
          %add3A_474 = arith.constant 9 : i32
          %add3A_475 = arith.addi %mul3A_316, %add3A_474 : i32
          %swap3A_476 = arith.index_cast %select_n3A_261 : i32 to index
          %swap3A_477 = arith.index_cast %add3A_475 : i32 to index
          %swap3A_478 = arith.constant 0 : index
          %swap3A_479 = tpu.vector_load %arg15[%swap3A_476, %swap3A_477, %swap3A_478] {strides = array<i32>} : memref<2x128x16xf32, #tpu.memory_space<vmem>>, vector<16xf32>,
          tpu.vector_store %arg15[%swap3A_476, %swap3A_477, %swap3A_478], %mul3A_473 {strides = array<i32>} : memref<2x128x16xf32, #tpu.memory_space<vmem>>, vector<16xf32>,
          %add3A_480 = arith.constant 10 : i32
          %add3A_481 = arith.addi %mul3A_316, %add3A_480 : i32
          %get3A_482 = arith.index_cast %select_n3A_245 : i32 to index
          %get3A_483 = arith.index_cast %add3A_481 : i32 to index
          %get3A_484 = arith.constant 0 : index
          %get3A_485 = tpu.vector_load %arg14[%get3A_482, %get3A_483, %get3A_484] {strides = array<i32>} : memref<4x128x16xf32, #tpu.memory_space<vmem>>, vector<16xf32>,
          %slice3A_486 = vector.extract_strided_slice %mul3A_322 {offsets = [10], sizes = [1], strides = [1]} : vector<16xf32> to vector<1xf32>
          %squeeze3A_487 = vector.extract %slice3A_486[0] : f32 from vector<1xf32>
          %mul3A_488 = vector.broadcast %squeeze3A_487 : f32 to vector<16xf32>
          %mul3A_489 = arith.mulf %get3A_485, %mul3A_488 : vector<16xf32>
          %add3A_490 = arith.constant 10 : i32
          %add3A_491 = arith.addi %mul3A_316, %add3A_490 : i32
          %swap3A_492 = arith.index_cast %select_n3A_261 : i32 to index
          %swap3A_493 = arith.index_cast %add3A_491 : i32 to index
          %swap3A_494 = arith.constant 0 : index
          %swap3A_495 = tpu.vector_load %arg15[%swap3A_492, %swap3A_493, %swap3A_494] {strides = array<i32>} : memref<2x128x16xf32, #tpu.memory_space<vmem>>, vector<16xf32>,
          tpu.vector_store %arg15[%swap3A_492, %swap3A_493, %swap3A_494], %mul3A_489 {strides = array<i32>} : memref<2x128x16xf32, #tpu.memory_space<vmem>>, vector<16xf32>,
          %add3A_496 = arith.constant 11 : i32
          %add3A_497 = arith.addi %mul3A_316, %add3A_496 : i32
          %get3A_498 = arith.index_cast %select_n3A_245 : i32 to index
          %get3A_499 = arith.index_cast %add3A_497 : i32 to index
          %get3A_500 = arith.constant 0 : index
          %get3A_501 = tpu.vector_load %arg14[%get3A_498, %get3A_499, %get3A_500] {strides = array<i32>} : memref<4x128x16xf32, #tpu.memory_space<vmem>>, vector<16xf32>,
          %slice3A_502 = vector.extract_strided_slice %mul3A_322 {offsets = [11], sizes = [1], strides = [1]} : vector<16xf32> to vector<1xf32>
          %squeeze3A_503 = vector.extract %slice3A_502[0] : f32 from vector<1xf32>
          %mul3A_504 = vector.broadcast %squeeze3A_503 : f32 to vector<16xf32>
          %mul3A_505 = arith.mulf %get3A_501, %mul3A_504 : vector<16xf32>
          %add3A_506 = arith.constant 11 : i32
          %add3A_507 = arith.addi %mul3A_316, %add3A_506 : i32
          %swap3A_508 = arith.index_cast %select_n3A_261 : i32 to index
          %swap3A_509 = arith.index_cast %add3A_507 : i32 to index
          %swap3A_510 = arith.constant 0 : index
          %swap3A_511 = tpu.vector_load %arg15[%swap3A_508, %swap3A_509, %swap3A_510] {strides = array<i32>} : memref<2x128x16xf32, #tpu.memory_space<vmem>>, vector<16xf32>,
          tpu.vector_store %arg15[%swap3A_508, %swap3A_509, %swap3A_510], %mul3A_505 {strides = array<i32>} : memref<2x128x16xf32, #tpu.memory_space<vmem>>, vector<16xf32>,
          %add3A_512 = arith.constant 12 : i32
          %add3A_513 = arith.addi %mul3A_316, %add3A_512 : i32
          %get3A_514 = arith.index_cast %select_n3A_245 : i32 to index
          %get3A_515 = arith.index_cast %add3A_513 : i32 to index
          %get3A_516 = arith.constant 0 : index
          %get3A_517 = tpu.vector_load %arg14[%get3A_514, %get3A_515, %get3A_516] {strides = array<i32>} : memref<4x128x16xf32, #tpu.memory_space<vmem>>, vector<16xf32>,
          %slice3A_518 = vector.extract_strided_slice %mul3A_322 {offsets = [12], sizes = [1], strides = [1]} : vector<16xf32> to vector<1xf32>
          %squeeze3A_519 = vector.extract %slice3A_518[0] : f32 from vector<1xf32>
          %mul3A_520 = vector.broadcast %squeeze3A_519 : f32 to vector<16xf32>
          %mul3A_521 = arith.mulf %get3A_517, %mul3A_520 : vector<16xf32>
          %add3A_522 = arith.constant 12 : i32
          %add3A_523 = arith.addi %mul3A_316, %add3A_522 : i32
          %swap3A_524 = arith.index_cast %select_n3A_261 : i32 to index
          %swap3A_525 = arith.index_cast %add3A_523 : i32 to index
          %swap3A_526 = arith.constant 0 : index
          %swap3A_527 = tpu.vector_load %arg15[%swap3A_524, %swap3A_525, %swap3A_526] {strides = array<i32>} : memref<2x128x16xf32, #tpu.memory_space<vmem>>, vector<16xf32>,
          tpu.vector_store %arg15[%swap3A_524, %swap3A_525, %swap3A_526], %mul3A_521 {strides = array<i32>} : memref<2x128x16xf32, #tpu.memory_space<vmem>>, vector<16xf32>,
          %add3A_528 = arith.constant 13 : i32
          %add3A_529 = arith.addi %mul3A_316, %add3A_528 : i32
          %get3A_530 = arith.index_cast %select_n3A_245 : i32 to index
          %get3A_531 = arith.index_cast %add3A_529 : i32 to index
          %get3A_532 = arith.constant 0 : index
          %get3A_533 = tpu.vector_load %arg14[%get3A_530, %get3A_531, %get3A_532] {strides = array<i32>} : memref<4x128x16xf32, #tpu.memory_space<vmem>>, vector<16xf32>,
          %slice3A_534 = vector.extract_strided_slice %mul3A_322 {offsets = [13], sizes = [1], strides = [1]} : vector<16xf32> to vector<1xf32>
          %squeeze3A_535 = vector.extract %slice3A_534[0] : f32 from vector<1xf32>
          %mul3A_536 = vector.broadcast %squeeze3A_535 : f32 to vector<16xf32>
          %mul3A_537 = arith.mulf %get3A_533, %mul3A_536 : vector<16xf32>
          %add3A_538 = arith.constant 13 : i32
          %add3A_539 = arith.addi %mul3A_316, %add3A_538 : i32
          %swap3A_540 = arith.index_cast %select_n3A_261 : i32 to index
          %swap3A_541 = arith.index_cast %add3A_539 : i32 to index
          %swap3A_542 = arith.constant 0 : index
          %swap3A_543 = tpu.vector_load %arg15[%swap3A_540, %swap3A_541, %swap3A_542] {strides = array<i32>} : memref<2x128x16xf32, #tpu.memory_space<vmem>>, vector<16xf32>,
          tpu.vector_store %arg15[%swap3A_540, %swap3A_541, %swap3A_542], %mul3A_537 {strides = array<i32>} : memref<2x128x16xf32, #tpu.memory_space<vmem>>, vector<16xf32>,
          %add3A_544 = arith.constant 14 : i32
          %add3A_545 = arith.addi %mul3A_316, %add3A_544 : i32
          %get3A_546 = arith.index_cast %select_n3A_245 : i32 to index
          %get3A_547 = arith.index_cast %add3A_545 : i32 to index
          %get3A_548 = arith.constant 0 : index
          %get3A_549 = tpu.vector_load %arg14[%get3A_546, %get3A_547, %get3A_548] {strides = array<i32>} : memref<4x128x16xf32, #tpu.memory_space<vmem>>, vector<16xf32>,
          %slice3A_550 = vector.extract_strided_slice %mul3A_322 {offsets = [14], sizes = [1], strides = [1]} : vector<16xf32> to vector<1xf32>
          %squeeze3A_551 = vector.extract %slice3A_550[0] : f32 from vector<1xf32>
          %mul3A_552 = vector.broadcast %squeeze3A_551 : f32 to vector<16xf32>
          %mul3A_553 = arith.mulf %get3A_549, %mul3A_552 : vector<16xf32>
          %add3A_554 = arith.constant 14 : i32
          %add3A_555 = arith.addi %mul3A_316, %add3A_554 : i32
          %swap3A_556 = arith.index_cast %select_n3A_261 : i32 to index
          %swap3A_557 = arith.index_cast %add3A_555 : i32 to index
          %swap3A_558 = arith.constant 0 : index
          %swap3A_559 = tpu.vector_load %arg15[%swap3A_556, %swap3A_557, %swap3A_558] {strides = array<i32>} : memref<2x128x16xf32, #tpu.memory_space<vmem>>, vector<16xf32>,
          tpu.vector_store %arg15[%swap3A_556, %swap3A_557, %swap3A_558], %mul3A_553 {strides = array<i32>} : memref<2x128x16xf32, #tpu.memory_space<vmem>>, vector<16xf32>,
          %add3A_560 = arith.constant 15 : i32
          %add3A_561 = arith.addi %mul3A_316, %add3A_560 : i32
          %get3A_562 = arith.index_cast %select_n3A_245 : i32 to index
          %get3A_563 = arith.index_cast %add3A_561 : i32 to index
          %get3A_564 = arith.constant 0 : index
          %get3A_565 = tpu.vector_load %arg14[%get3A_562, %get3A_563, %get3A_564] {strides = array<i32>} : memref<4x128x16xf32, #tpu.memory_space<vmem>>, vector<16xf32>,
          %slice3A_566 = vector.extract_strided_slice %mul3A_322 {offsets = [15], sizes = [1], strides = [1]} : vector<16xf32> to vector<1xf32>
          %squeeze3A_567 = vector.extract %slice3A_566[0] : f32 from vector<1xf32>
          %mul3A_568 = vector.broadcast %squeeze3A_567 : f32 to vector<16xf32>
          %mul3A_569 = arith.mulf %get3A_565, %mul3A_568 : vector<16xf32>
          %add3A_570 = arith.constant 15 : i32
          %add3A_571 = arith.addi %mul3A_316, %add3A_570 : i32
          %swap3A_572 = arith.index_cast %select_n3A_261 : i32 to index
          %swap3A_573 = arith.index_cast %add3A_571 : i32 to index
          %swap3A_574 = arith.constant 0 : index
          %swap3A_575 = tpu.vector_load %arg15[%swap3A_572, %swap3A_573, %swap3A_574] {strides = array<i32>} : memref<2x128x16xf32, #tpu.memory_space<vmem>>, vector<16xf32>,
          tpu.vector_store %arg15[%swap3A_572, %swap3A_573, %swap3A_574], %mul3A_569 {strides = array<i32>} : memref<2x128x16xf32, #tpu.memory_space<vmem>>, vector<16xf32>,
          %scan3A_576 = arith.constant 0 : i32
          scf.yield %scan3A_576 : i32
        }
        %scan3A_292 = arith.constant 8 : i32
        %dma_start3A_293 = arith.constant 0 : i32
        %dma_start3A_294 = arith.constant 0 : i32
        %dma_start3A_295 = tpu.memref_slice %arg15[%select_n3A_261, %dma_start3A_293, %dma_start3A_294] : memref<2x128x16xf32, #tpu.memory_space<vmem>> -> memref<1x128x16xf32, #tpu.memory_space<vmem>>
        %dma_start3A_296 = tpu.memref_squeeze %dma_start3A_295 : memref<1x128x16xf32, #tpu.memory_space<vmem>> -> memref<128x16xf32, #tpu.memory_space<vmem>>
        %dma_start3A_297 = arith.constant 0 : i32
        %dma_start3A_298 = tpu.memref_slice %arg11[%scan3A_235, %dma_start3A_297] : memref<72x128xi32, #tpu.memory_space<vmem>> -> memref<1x128xi32, #tpu.memory_space<vmem>>
        %dma_start3A_299 = tpu.memref_squeeze %dma_start3A_298 : memref<1x128xi32, #tpu.memory_space<vmem>> -> memref<128xi32, #tpu.memory_space<vmem>>
        %dma_start3A_300 = arith.constant 0 : i32
        %dma_start3A_301 = arith.constant 0 : i32
        %dma_start3A_302 = tpu.memref_slice %arg8[%dma_start3A_300, %dma_start3A_301] : memref<50176x16xf32, #tpu.memory_space<vmem_shared>> -> memref<50176x16xf32, #tpu.memory_space<vmem_shared>>
        %dma_start3A_303 = tpu.memref_slice %arg20[%select_n3A_261] : memref<2x!tpu.dma_semaphore, #tpu.memory_space<semaphore_mem>> -> memref<1x!tpu.dma_semaphore, #tpu.memory_space<semaphore_mem>>
        %dma_start3A_304 = tpu.memref_squeeze %dma_start3A_303 : memref<1x!tpu.dma_semaphore, #tpu.memory_space<semaphore_mem>> -> memref<!tpu.dma_semaphore, #tpu.memory_space<semaphore_mem>>
        tpu.enqueue_indirect_dma source(%dma_start3A_296 : memref<128x16xf32, #tpu.memory_space<vmem>>) target(%dma_start3A_302 : memref<50176x16xf32, #tpu.memory_space<vmem_shared>>) offsets(%dma_start3A_299 : memref<128xi32, #tpu.memory_space<vmem>>) semaphore(%dma_start3A_304 : memref<!tpu.dma_semaphore, #tpu.memory_space<semaphore_mem>>) {add = true}
        %add3A_305 = arith.constant 4 : i32
        %add3A_306 = arith.addi %scan3A_235, %add3A_305 : i32
        %lt3A_307 = arith.constant 72 : i32
        %lt3A_308 = arith.cmpi slt, %add3A_306, %lt3A_307 : i32
        %convert_element_type3A_309 = arith.extui %lt3A_308 : i1 to i32
        %cond3A_310 = arith.constant 0 : i32
        %cond3A_311 = arith.cmpi ne, %convert_element_type3A_309, %cond3A_310 : i32
        scf.if %cond3A_311 {
          %add3A_313 = arith.constant 4 : i32
          %add3A_314 = arith.addi %scan3A_235, %add3A_313 : i32
          %dma_start3A_315 = arith.constant 0 : i32
          %dma_start3A_316 = tpu.memref_slice %arg13[%select_n3A_245, %dma_start3A_315] : memref<4x128xf32, #tpu.memory_space<vmem>> -> memref<1x128xf32, #tpu.memory_space<vmem>>
          %dma_start3A_317 = tpu.memref_squeeze %dma_start3A_316 : memref<1x128xf32, #tpu.memory_space<vmem>> -> memref<128xf32, #tpu.memory_space<vmem>>
          %dma_start3A_318 = arith.constant 0 : i32
          %dma_start3A_319 = tpu.memref_slice %arg10[%add3A_314, %dma_start3A_318] : memref<72x128xi32, #tpu.memory_space<vmem>> -> memref<1x128xi32, #tpu.memory_space<vmem>>
          %dma_start3A_320 = tpu.memref_squeeze %dma_start3A_319 : memref<1x128xi32, #tpu.memory_space<vmem>> -> memref<128xi32, #tpu.memory_space<vmem>>
          %dma_start3A_321 = arith.constant 0 : i32
          %dma_start3A_322 = tpu.memref_slice %arg9[%dma_start3A_321] : memref<50176xf32, #tpu.memory_space<vmem_shared>> -> memref<50176xf32, #tpu.memory_space<vmem_shared>>
          %dma_start3A_323 = tpu.memref_slice %arg18[%select_n3A_245] : memref<4x!tpu.dma_semaphore, #tpu.memory_space<semaphore_mem>> -> memref<1x!tpu.dma_semaphore, #tpu.memory_space<semaphore_mem>>
          %dma_start3A_324 = tpu.memref_squeeze %dma_start3A_323 : memref<1x!tpu.dma_semaphore, #tpu.memory_space<semaphore_mem>> -> memref<!tpu.dma_semaphore, #tpu.memory_space<semaphore_mem>>
          tpu.enqueue_indirect_dma source(%dma_start3A_322 : memref<50176xf32, #tpu.memory_space<vmem_shared>>) target(%dma_start3A_317 : memref<128xf32, #tpu.memory_space<vmem>>) offsets(%dma_start3A_320 : memref<128xi32, #tpu.memory_space<vmem>>) semaphore(%dma_start3A_324 : memref<!tpu.dma_semaphore, #tpu.memory_space<semaphore_mem>>)
          %dma_start3A_325 = arith.constant 0 : i32
          %dma_start3A_326 = arith.constant 0 : i32
          %dma_start3A_327 = tpu.memref_slice %arg14[%select_n3A_245, %dma_start3A_325, %dma_start3A_326] : memref<4x128x16xf32, #tpu.memory_space<vmem>> -> memref<1x128x16xf32, #tpu.memory_space<vmem>>
          %dma_start3A_328 = tpu.memref_squeeze %dma_start3A_327 : memref<1x128x16xf32, #tpu.memory_space<vmem>> -> memref<128x16xf32, #tpu.memory_space<vmem>>
          %dma_start3A_329 = arith.constant 0 : i32
          %dma_start3A_330 = tpu.memref_slice %arg10[%add3A_314, %dma_start3A_329] : memref<72x128xi32, #tpu.memory_space<vmem>> -> memref<1x128xi32, #tpu.memory_space<vmem>>
          %dma_start3A_331 = tpu.memref_squeeze %dma_start3A_330 : memref<1x128xi32, #tpu.memory_space<vmem>> -> memref<128xi32, #tpu.memory_space<vmem>>
          %dma_start3A_332 = arith.constant 0 : i32
          %dma_start3A_333 = arith.constant 0 : i32
          %dma_start3A_334 = tpu.memref_slice %arg6[%dma_start3A_332, %dma_start3A_333] : memref<50176x16xf32, #tpu.memory_space<hbm>> -> memref<50176x16xf32, #tpu.memory_space<hbm>>
          %dma_start3A_335 = tpu.memref_slice %arg19[%select_n3A_245] : memref<4x!tpu.dma_semaphore, #tpu.memory_space<semaphore_mem>> -> memref<1x!tpu.dma_semaphore, #tpu.memory_space<semaphore_mem>>
          %dma_start3A_336 = tpu.memref_squeeze %dma_start3A_335 : memref<1x!tpu.dma_semaphore, #tpu.memory_space<semaphore_mem>> -> memref<!tpu.dma_semaphore, #tpu.memory_space<semaphore_mem>>
          tpu.enqueue_indirect_dma source(%dma_start3A_334 : memref<50176x16xf32, #tpu.memory_space<hbm>>) target(%dma_start3A_328 : memref<128x16xf32, #tpu.memory_space<vmem>>) offsets(%dma_start3A_331 : memref<128xi32, #tpu.memory_space<vmem>>) semaphore(%dma_start3A_336 : memref<!tpu.dma_semaphore, #tpu.memory_space<semaphore_mem>>)
        } else {
        }
        %scan3A_312 = arith.constant 0 : i32
        scf.yield %scan3A_312 : i32
      }
      %scan3A_204 = arith.constant 72 : i32
      %dma_wait3A = arith.constant 0 : i32
      %dma_wait3A_205 = arith.constant 0 : i32
      %dma_wait3A_206 = arith.constant 0 : i32
      %dma_wait3A_207 = arith.constant 0 : i32
      %dma_wait3A_208 = arith.constant 0 : i32
      %dma_wait3A_209 = tpu.memref_slice %arg15[%dma_wait3A, %dma_wait3A_207, %dma_wait3A_208] : memref<2x128x16xf32, #tpu.memory_space<vmem>> -> memref<1x128x16xf32, #tpu.memory_space<vmem>>
      %dma_wait3A_210 = tpu.memref_squeeze %dma_wait3A_209 : memref<1x128x16xf32, #tpu.memory_space<vmem>> -> memref<128x16xf32, #tpu.memory_space<vmem>>
      %dma_wait3A_211 = arith.constant 0 : i32
      %dma_wait3A_212 = tpu.memref_slice %arg11[%dma_wait3A_205, %dma_wait3A_211] : memref<72x128xi32, #tpu.memory_space<vmem>> -> memref<1x128xi32, #tpu.memory_space<vmem>>
      %dma_wait3A_213 = tpu.memref_squeeze %dma_wait3A_212 : memref<1x128xi32, #tpu.memory_space<vmem>> -> memref<128xi32, #tpu.memory_space<vmem>>
      %dma_wait3A_214 = arith.constant 0 : i32
      %dma_wait3A_215 = arith.constant 0 : i32
      %dma_wait3A_216 = tpu.memref_slice %arg8[%dma_wait3A_214, %dma_wait3A_215] : memref<50176x16xf32, #tpu.memory_space<vmem_shared>> -> memref<50176x16xf32, #tpu.memory_space<vmem_shared>>
      %dma_wait3A_217 = tpu.memref_slice %arg20[%dma_wait3A_206] : memref<2x!tpu.dma_semaphore, #tpu.memory_space<semaphore_mem>> -> memref<1x!tpu.dma_semaphore, #tpu.memory_space<semaphore_mem>>
      %dma_wait3A_218 = tpu.memref_squeeze %dma_wait3A_217 : memref<1x!tpu.dma_semaphore, #tpu.memory_space<semaphore_mem>> -> memref<!tpu.dma_semaphore, #tpu.memory_space<semaphore_mem>>
      tpu.wait_indirect_dma semaphore(%dma_wait3A_218 : memref<!tpu.dma_semaphore, #tpu.memory_space<semaphore_mem>>) src(%dma_wait3A_210 : memref<128x16xf32, #tpu.memory_space<vmem>>) dst(%dma_wait3A_216 : memref<50176x16xf32, #tpu.memory_space<vmem_shared>>)
      %dma_wait3A_219 = arith.constant 1 : i32
      %dma_wait3A_220 = arith.constant 1 : i32
      %dma_wait3A_221 = arith.constant 1 : i32
      %dma_wait3A_222 = arith.constant 0 : i32
      %dma_wait3A_223 = arith.constant 0 : i32
      %dma_wait3A_224 = tpu.memref_slice %arg15[%dma_wait3A_219, %dma_wait3A_222, %dma_wait3A_223] : memref<2x128x16xf32, #tpu.memory_space<vmem>> -> memref<1x128x16xf32, #tpu.memory_space<vmem>>
      %dma_wait3A_225 = tpu.memref_squeeze %dma_wait3A_224 : memref<1x128x16xf32, #tpu.memory_space<vmem>> -> memref<128x16xf32, #tpu.memory_space<vmem>>
      %dma_wait3A_226 = arith.constant 0 : i32
      %dma_wait3A_227 = tpu.memref_slice %arg11[%dma_wait3A_220, %dma_wait3A_226] : memref<72x128xi32, #tpu.memory_space<vmem>> -> memref<1x128xi32, #tpu.memory_space<vmem>>
      %dma_wait3A_228 = tpu.memref_squeeze %dma_wait3A_227 : memref<1x128xi32, #tpu.memory_space<vmem>> -> memref<128xi32, #tpu.memory_space<vmem>>
      %dma_wait3A_229 = arith.constant 0 : i32
      %dma_wait3A_230 = arith.constant 0 : i32
      %dma_wait3A_231 = tpu.memref_slice %arg8[%dma_wait3A_229, %dma_wait3A_230] : memref<50176x16xf32, #tpu.memory_space<vmem_shared>> -> memref<50176x16xf32, #tpu.memory_space<vmem_shared>>
      %dma_wait3A_232 = tpu.memref_slice %arg20[%dma_wait3A_221] : memref<2x!tpu.dma_semaphore, #tpu.memory_space<semaphore_mem>> -> memref<1x!tpu.dma_semaphore, #tpu.memory_space<semaphore_mem>>
      %dma_wait3A_233 = tpu.memref_squeeze %dma_wait3A_232 : memref<1x!tpu.dma_semaphore, #tpu.memory_space<semaphore_mem>> -> memref<!tpu.dma_semaphore, #tpu.memory_space<semaphore_mem>>
      tpu.wait_indirect_dma semaphore(%dma_wait3A_233 : memref<!tpu.dma_semaphore, #tpu.memory_space<semaphore_mem>>) src(%dma_wait3A_225 : memref<128x16xf32, #tpu.memory_space<vmem>>) dst(%dma_wait3A_231 : memref<50176x16xf32, #tpu.memory_space<vmem_shared>>)
      %scan3A_234 = arith.constant 0 : i32
      scf.yield %scan3A_234 : i32
    }
    %scan3A_46 = arith.constant 3 : i32
    %barrier3A_47 = arith.constant 0 : index
    tpu.barrier barrier_id(%barrier3A_47)
    %mul3A_48 = arith.constant 3136 : i32
    %mul3A_49 = arith.muli %arg1, %mul3A_48 : i32
    %add3A_50 = arith.constant 0 : i32
    %add3A_51 = arith.addi %mul3A_49, %add3A_50 : i32
    "tpu.region"() ({
      %run_scoped3A = tpu.sem_alloc : memref<!tpu.dma_semaphore, #tpu.memory_space<semaphore_mem>>
      %dma_start3A = arith.constant 0 : i32
      %dma_start3A_80 = tpu.memref_slice %arg8[%add3A_51, %dma_start3A] : memref<50176x16xf32, #tpu.memory_space<vmem_shared>> -> memref<784x16xf32, #tpu.memory_space<vmem_shared>>
      %dma_start3A_81 = arith.constant 0 : i32
      %dma_start3A_82 = tpu.memref_slice %arg8[%add3A_51, %dma_start3A_81] : memref<50176x16xf32, #tpu.memory_space<vmem_shared>> -> memref<784x16xf32, #tpu.memory_space<vmem_shared>>
      tpu.enqueue_dma source(%dma_start3A_82 : memref<784x16xf32, #tpu.memory_space<vmem_shared>>) target(%arg16 : memref<784x16xf32, #tpu.memory_space<vmem>>) target_semaphore(%run_scoped3A : memref<!tpu.dma_semaphore, #tpu.memory_space<semaphore_mem>>)
      %dma_wait3A = arith.constant 0 : i32
      %dma_wait3A_83 = tpu.memref_slice %arg8[%add3A_51, %dma_wait3A] : memref<50176x16xf32, #tpu.memory_space<vmem_shared>> -> memref<784x16xf32, #tpu.memory_space<vmem_shared>>
      %dma_wait3A_84 = arith.constant 0 : i32
      %dma_wait3A_85 = tpu.memref_slice %arg8[%add3A_51, %dma_wait3A_84] : memref<50176x16xf32, #tpu.memory_space<vmem_shared>> -> memref<784x16xf32, #tpu.memory_space<vmem_shared>>
      tpu.wait_dma2 semaphore(%run_scoped3A : memref<!tpu.dma_semaphore, #tpu.memory_space<semaphore_mem>>) src(%dma_wait3A_85 : memref<784x16xf32, #tpu.memory_space<vmem_shared>>) dst(%arg16 : memref<784x16xf32, #tpu.memory_space<vmem>>)
      tpu.yield
    }) : () -> ()
    %mul3A_52 = arith.constant 3136 : i32
    %mul3A_53 = arith.muli %arg1, %mul3A_52 : i32
    %add3A_54 = arith.constant 0 : i32
    %add3A_55 = arith.addi %mul3A_53, %add3A_54 : i32
    "tpu.region"() ({
      %run_scoped3A = tpu.sem_alloc : memref<!tpu.dma_semaphore, #tpu.memory_space<semaphore_mem>>
      %dma_start3A = arith.constant 0 : i32
      %dma_start3A_80 = tpu.memref_slice %arg7[%arg0, %add3A_55, %dma_start3A] : memref<2x50176x16xf32, #tpu.memory_space<hbm>> -> memref<1x784x16xf32, #tpu.memory_space<hbm>>
      %dma_start3A_81 = tpu.memref_squeeze %dma_start3A_80 : memref<1x784x16xf32, #tpu.memory_space<hbm>> -> memref<784x16xf32, #tpu.memory_space<hbm>>
      %dma_start3A_82 = arith.constant 0 : i32
      %dma_start3A_83 = tpu.memref_slice %arg7[%arg0, %add3A_55, %dma_start3A_82] : memref<2x50176x16xf32, #tpu.memory_space<hbm>> -> memref<1x784x16xf32, #tpu.memory_space<hbm>>
      %dma_start3A_84 = tpu.memref_squeeze %dma_start3A_83 : memref<1x784x16xf32, #tpu.memory_space<hbm>> -> memref<784x16xf32, #tpu.memory_space<hbm>>
      tpu.enqueue_dma source(%arg16 : memref<784x16xf32, #tpu.memory_space<vmem>>) target(%dma_start3A_84 : memref<784x16xf32, #tpu.memory_space<hbm>>) target_semaphore(%run_scoped3A : memref<!tpu.dma_semaphore, #tpu.memory_space<semaphore_mem>>)
      %dma_wait3A = arith.constant 0 : i32
      %dma_wait3A_85 = tpu.memref_slice %arg7[%arg0, %add3A_55, %dma_wait3A] : memref<2x50176x16xf32, #tpu.memory_space<hbm>> -> memref<1x784x16xf32, #tpu.memory_space<hbm>>
      %dma_wait3A_86 = tpu.memref_squeeze %dma_wait3A_85 : memref<1x784x16xf32, #tpu.memory_space<hbm>> -> memref<784x16xf32, #tpu.memory_space<hbm>>
      %dma_wait3A_87 = arith.constant 0 : i32
      %dma_wait3A_88 = tpu.memref_slice %arg7[%arg0, %add3A_55, %dma_wait3A_87] : memref<2x50176x16xf32, #tpu.memory_space<hbm>> -> memref<1x784x16xf32, #tpu.memory_space<hbm>>
      %dma_wait3A_89 = tpu.memref_squeeze %dma_wait3A_88 : memref<1x784x16xf32, #tpu.memory_space<hbm>> -> memref<784x16xf32, #tpu.memory_space<hbm>>
      tpu.wait_dma2 semaphore(%run_scoped3A : memref<!tpu.dma_semaphore, #tpu.memory_space<semaphore_mem>>) src(%arg16 : memref<784x16xf32, #tpu.memory_space<vmem>>) dst(%dma_wait3A_89 : memref<784x16xf32, #tpu.memory_space<hbm>>)
      tpu.yield
    }) : () -> ()
    %mul3A_56 = arith.constant 3136 : i32
    %mul3A_57 = arith.muli %arg1, %mul3A_56 : i32
    %add3A_58 = arith.constant 784 : i32
    %add3A_59 = arith.addi %mul3A_57, %add3A_58 : i32
    "tpu.region"() ({
      %run_scoped3A = tpu.sem_alloc : memref<!tpu.dma_semaphore, #tpu.memory_space<semaphore_mem>>
      %dma_start3A = arith.constant 0 : i32
      %dma_start3A_80 = tpu.memref_slice %arg8[%add3A_59, %dma_start3A] : memref<50176x16xf32, #tpu.memory_space<vmem_shared>> -> memref<784x16xf32, #tpu.memory_space<vmem_shared>>
      %dma_start3A_81 = arith.constant 0 : i32
      %dma_start3A_82 = tpu.memref_slice %arg8[%add3A_59, %dma_start3A_81] : memref<50176x16xf32, #tpu.memory_space<vmem_shared>> -> memref<784x16xf32, #tpu.memory_space<vmem_shared>>
      tpu.enqueue_dma source(%dma_start3A_82 : memref<784x16xf32, #tpu.memory_space<vmem_shared>>) target(%arg16 : memref<784x16xf32, #tpu.memory_space<vmem>>) target_semaphore(%run_scoped3A : memref<!tpu.dma_semaphore, #tpu.memory_space<semaphore_mem>>)
      %dma_wait3A = arith.constant 0 : i32
      %dma_wait3A_83 = tpu.memref_slice %arg8[%add3A_59, %dma_wait3A] : memref<50176x16xf32, #tpu.memory_space<vmem_shared>> -> memref<784x16xf32, #tpu.memory_space<vmem_shared>>
      %dma_wait3A_84 = arith.constant 0 : i32
      %dma_wait3A_85 = tpu.memref_slice %arg8[%add3A_59, %dma_wait3A_84] : memref<50176x16xf32, #tpu.memory_space<vmem_shared>> -> memref<784x16xf32, #tpu.memory_space<vmem_shared>>
      tpu.wait_dma2 semaphore(%run_scoped3A : memref<!tpu.dma_semaphore, #tpu.memory_space<semaphore_mem>>) src(%dma_wait3A_85 : memref<784x16xf32, #tpu.memory_space<vmem_shared>>) dst(%arg16 : memref<784x16xf32, #tpu.memory_space<vmem>>)
      tpu.yield
    }) : () -> ()
    %mul3A_60 = arith.constant 3136 : i32
    %mul3A_61 = arith.muli %arg1, %mul3A_60 : i32
    %add3A_62 = arith.constant 784 : i32
    %add3A_63 = arith.addi %mul3A_61, %add3A_62 : i32
    "tpu.region"() ({
      %run_scoped3A = tpu.sem_alloc : memref<!tpu.dma_semaphore, #tpu.memory_space<semaphore_mem>>
      %dma_start3A = arith.constant 0 : i32
      %dma_start3A_80 = tpu.memref_slice %arg7[%arg0, %add3A_63, %dma_start3A] : memref<2x50176x16xf32, #tpu.memory_space<hbm>> -> memref<1x784x16xf32, #tpu.memory_space<hbm>>
      %dma_start3A_81 = tpu.memref_squeeze %dma_start3A_80 : memref<1x784x16xf32, #tpu.memory_space<hbm>> -> memref<784x16xf32, #tpu.memory_space<hbm>>
      %dma_start3A_82 = arith.constant 0 : i32
      %dma_start3A_83 = tpu.memref_slice %arg7[%arg0, %add3A_63, %dma_start3A_82] : memref<2x50176x16xf32, #tpu.memory_space<hbm>> -> memref<1x784x16xf32, #tpu.memory_space<hbm>>
      %dma_start3A_84 = tpu.memref_squeeze %dma_start3A_83 : memref<1x784x16xf32, #tpu.memory_space<hbm>> -> memref<784x16xf32, #tpu.memory_space<hbm>>
      tpu.enqueue_dma source(%arg16 : memref<784x16xf32, #tpu.memory_space<vmem>>) target(%dma_start3A_84 : memref<784x16xf32, #tpu.memory_space<hbm>>) target_semaphore(%run_scoped3A : memref<!tpu.dma_semaphore, #tpu.memory_space<semaphore_mem>>)
      %dma_wait3A = arith.constant 0 : i32
      %dma_wait3A_85 = tpu.memref_slice %arg7[%arg0, %add3A_63, %dma_wait3A] : memref<2x50176x16xf32, #tpu.memory_space<hbm>> -> memref<1x784x16xf32, #tpu.memory_space<hbm>>
      %dma_wait3A_86 = tpu.memref_squeeze %dma_wait3A_85 : memref<1x784x16xf32, #tpu.memory_space<hbm>> -> memref<784x16xf32, #tpu.memory_space<hbm>>
      %dma_wait3A_87 = arith.constant 0 : i32
      %dma_wait3A_88 = tpu.memref_slice %arg7[%arg0, %add3A_63, %dma_wait3A_87] : memref<2x50176x16xf32, #tpu.memory_space<hbm>> -> memref<1x784x16xf32, #tpu.memory_space<hbm>>
      %dma_wait3A_89 = tpu.memref_squeeze %dma_wait3A_88 : memref<1x784x16xf32, #tpu.memory_space<hbm>> -> memref<784x16xf32, #tpu.memory_space<hbm>>
      tpu.wait_dma2 semaphore(%run_scoped3A : memref<!tpu.dma_semaphore, #tpu.memory_space<semaphore_mem>>) src(%arg16 : memref<784x16xf32, #tpu.memory_space<vmem>>) dst(%dma_wait3A_89 : memref<784x16xf32, #tpu.memory_space<hbm>>)
      tpu.yield
    }) : () -> ()
    %mul3A_64 = arith.constant 3136 : i32
    %mul3A_65 = arith.muli %arg1, %mul3A_64 : i32
    %add3A_66 = arith.constant 1568 : i32
    %add3A_67 = arith.addi %mul3A_65, %add3A_66 : i32
    "tpu.region"() ({
      %run_scoped3A = tpu.sem_alloc : memref<!tpu.dma_semaphore, #tpu.memory_space<semaphore_mem>>
      %dma_start3A = arith.constant 0 : i32
      %dma_start3A_80 = tpu.memref_slice %arg8[%add3A_67, %dma_start3A] : memref<50176x16xf32, #tpu.memory_space<vmem_shared>> -> memref<784x16xf32, #tpu.memory_space<vmem_shared>>
      %dma_start3A_81 = arith.constant 0 : i32
      %dma_start3A_82 = tpu.memref_slice %arg8[%add3A_67, %dma_start3A_81] : memref<50176x16xf32, #tpu.memory_space<vmem_shared>> -> memref<784x16xf32, #tpu.memory_space<vmem_shared>>
      tpu.enqueue_dma source(%dma_start3A_82 : memref<784x16xf32, #tpu.memory_space<vmem_shared>>) target(%arg16 : memref<784x16xf32, #tpu.memory_space<vmem>>) target_semaphore(%run_scoped3A : memref<!tpu.dma_semaphore, #tpu.memory_space<semaphore_mem>>)
      %dma_wait3A = arith.constant 0 : i32
      %dma_wait3A_83 = tpu.memref_slice %arg8[%add3A_67, %dma_wait3A] : memref<50176x16xf32, #tpu.memory_space<vmem_shared>> -> memref<784x16xf32, #tpu.memory_space<vmem_shared>>
      %dma_wait3A_84 = arith.constant 0 : i32
      %dma_wait3A_85 = tpu.memref_slice %arg8[%add3A_67, %dma_wait3A_84] : memref<50176x16xf32, #tpu.memory_space<vmem_shared>> -> memref<784x16xf32, #tpu.memory_space<vmem_shared>>
      tpu.wait_dma2 semaphore(%run_scoped3A : memref<!tpu.dma_semaphore, #tpu.memory_space<semaphore_mem>>) src(%dma_wait3A_85 : memref<784x16xf32, #tpu.memory_space<vmem_shared>>) dst(%arg16 : memref<784x16xf32, #tpu.memory_space<vmem>>)
      tpu.yield
    }) : () -> ()
    %mul3A_68 = arith.constant 3136 : i32
    %mul3A_69 = arith.muli %arg1, %mul3A_68 : i32
    %add3A_70 = arith.constant 1568 : i32
    %add3A_71 = arith.addi %mul3A_69, %add3A_70 : i32
    "tpu.region"() ({
      %run_scoped3A = tpu.sem_alloc : memref<!tpu.dma_semaphore, #tpu.memory_space<semaphore_mem>>
      %dma_start3A = arith.constant 0 : i32
      %dma_start3A_80 = tpu.memref_slice %arg7[%arg0, %add3A_71, %dma_start3A] : memref<2x50176x16xf32, #tpu.memory_space<hbm>> -> memref<1x784x16xf32, #tpu.memory_space<hbm>>
      %dma_start3A_81 = tpu.memref_squeeze %dma_start3A_80 : memref<1x784x16xf32, #tpu.memory_space<hbm>> -> memref<784x16xf32, #tpu.memory_space<hbm>>
      %dma_start3A_82 = arith.constant 0 : i32
      %dma_start3A_83 = tpu.memref_slice %arg7[%arg0, %add3A_71, %dma_start3A_82] : memref<2x50176x16xf32, #tpu.memory_space<hbm>> -> memref<1x784x16xf32, #tpu.memory_space<hbm>>
      %dma_start3A_84 = tpu.memref_squeeze %dma_start3A_83 : memref<1x784x16xf32, #tpu.memory_space<hbm>> -> memref<784x16xf32, #tpu.memory_space<hbm>>
      tpu.enqueue_dma source(%arg16 : memref<784x16xf32, #tpu.memory_space<vmem>>) target(%dma_start3A_84 : memref<784x16xf32, #tpu.memory_space<hbm>>) target_semaphore(%run_scoped3A : memref<!tpu.dma_semaphore, #tpu.memory_space<semaphore_mem>>)
      %dma_wait3A = arith.constant 0 : i32
      %dma_wait3A_85 = tpu.memref_slice %arg7[%arg0, %add3A_71, %dma_wait3A] : memref<2x50176x16xf32, #tpu.memory_space<hbm>> -> memref<1x784x16xf32, #tpu.memory_space<hbm>>
      %dma_wait3A_86 = tpu.memref_squeeze %dma_wait3A_85 : memref<1x784x16xf32, #tpu.memory_space<hbm>> -> memref<784x16xf32, #tpu.memory_space<hbm>>
      %dma_wait3A_87 = arith.constant 0 : i32
      %dma_wait3A_88 = tpu.memref_slice %arg7[%arg0, %add3A_71, %dma_wait3A_87] : memref<2x50176x16xf32, #tpu.memory_space<hbm>> -> memref<1x784x16xf32, #tpu.memory_space<hbm>>
      %dma_wait3A_89 = tpu.memref_squeeze %dma_wait3A_88 : memref<1x784x16xf32, #tpu.memory_space<hbm>> -> memref<784x16xf32, #tpu.memory_space<hbm>>
      tpu.wait_dma2 semaphore(%run_scoped3A : memref<!tpu.dma_semaphore, #tpu.memory_space<semaphore_mem>>) src(%arg16 : memref<784x16xf32, #tpu.memory_space<vmem>>) dst(%dma_wait3A_89 : memref<784x16xf32, #tpu.memory_space<hbm>>)
      tpu.yield
    }) : () -> ()
    %mul3A_72 = arith.constant 3136 : i32
    %mul3A_73 = arith.muli %arg1, %mul3A_72 : i32
    %add3A_74 = arith.constant 2352 : i32
    %add3A_75 = arith.addi %mul3A_73, %add3A_74 : i32
    "tpu.region"() ({
      %run_scoped3A = tpu.sem_alloc : memref<!tpu.dma_semaphore, #tpu.memory_space<semaphore_mem>>
      %dma_start3A = arith.constant 0 : i32
      %dma_start3A_80 = tpu.memref_slice %arg8[%add3A_75, %dma_start3A] : memref<50176x16xf32, #tpu.memory_space<vmem_shared>> -> memref<784x16xf32, #tpu.memory_space<vmem_shared>>
      %dma_start3A_81 = arith.constant 0 : i32
      %dma_start3A_82 = tpu.memref_slice %arg8[%add3A_75, %dma_start3A_81] : memref<50176x16xf32, #tpu.memory_space<vmem_shared>> -> memref<784x16xf32, #tpu.memory_space<vmem_shared>>
      tpu.enqueue_dma source(%dma_start3A_82 : memref<784x16xf32, #tpu.memory_space<vmem_shared>>) target(%arg16 : memref<784x16xf32, #tpu.memory_space<vmem>>) target_semaphore(%run_scoped3A : memref<!tpu.dma_semaphore, #tpu.memory_space<semaphore_mem>>)
      %dma_wait3A = arith.constant 0 : i32
      %dma_wait3A_83 = tpu.memref_slice %arg8[%add3A_75, %dma_wait3A] : memref<50176x16xf32, #tpu.memory_space<vmem_shared>> -> memref<784x16xf32, #tpu.memory_space<vmem_shared>>
      %dma_wait3A_84 = arith.constant 0 : i32
      %dma_wait3A_85 = tpu.memref_slice %arg8[%add3A_75, %dma_wait3A_84] : memref<50176x16xf32, #tpu.memory_space<vmem_shared>> -> memref<784x16xf32, #tpu.memory_space<vmem_shared>>
      tpu.wait_dma2 semaphore(%run_scoped3A : memref<!tpu.dma_semaphore, #tpu.memory_space<semaphore_mem>>) src(%dma_wait3A_85 : memref<784x16xf32, #tpu.memory_space<vmem_shared>>) dst(%arg16 : memref<784x16xf32, #tpu.memory_space<vmem>>)
      tpu.yield
    }) : () -> ()
    %mul3A_76 = arith.constant 3136 : i32
    %mul3A_77 = arith.muli %arg1, %mul3A_76 : i32
    %add3A_78 = arith.constant 2352 : i32
    %add3A_79 = arith.addi %mul3A_77, %add3A_78 : i32
    "tpu.region"() ({
      %run_scoped3A = tpu.sem_alloc : memref<!tpu.dma_semaphore, #tpu.memory_space<semaphore_mem>>
      %dma_start3A = arith.constant 0 : i32
      %dma_start3A_80 = tpu.memref_slice %arg7[%arg0, %add3A_79, %dma_start3A] : memref<2x50176x16xf32, #tpu.memory_space<hbm>> -> memref<1x784x16xf32, #tpu.memory_space<hbm>>
      %dma_start3A_81 = tpu.memref_squeeze %dma_start3A_80 : memref<1x784x16xf32, #tpu.memory_space<hbm>> -> memref<784x16xf32, #tpu.memory_space<hbm>>
      %dma_start3A_82 = arith.constant 0 : i32
      %dma_start3A_83 = tpu.memref_slice %arg7[%arg0, %add3A_79, %dma_start3A_82] : memref<2x50176x16xf32, #tpu.memory_space<hbm>> -> memref<1x784x16xf32, #tpu.memory_space<hbm>>
      %dma_start3A_84 = tpu.memref_squeeze %dma_start3A_83 : memref<1x784x16xf32, #tpu.memory_space<hbm>> -> memref<784x16xf32, #tpu.memory_space<hbm>>
      tpu.enqueue_dma source(%arg16 : memref<784x16xf32, #tpu.memory_space<vmem>>) target(%dma_start3A_84 : memref<784x16xf32, #tpu.memory_space<hbm>>) target_semaphore(%run_scoped3A : memref<!tpu.dma_semaphore, #tpu.memory_space<semaphore_mem>>)
      %dma_wait3A = arith.constant 0 : i32
      %dma_wait3A_85 = tpu.memref_slice %arg7[%arg0, %add3A_79, %dma_wait3A] : memref<2x50176x16xf32, #tpu.memory_space<hbm>> -> memref<1x784x16xf32, #tpu.memory_space<hbm>>
      %dma_wait3A_86 = tpu.memref_squeeze %dma_wait3A_85 : memref<1x784x16xf32, #tpu.memory_space<hbm>> -> memref<784x16xf32, #tpu.memory_space<hbm>>
      %dma_wait3A_87 = arith.constant 0 : i32
      %dma_wait3A_88 = tpu.memref_slice %arg7[%arg0, %add3A_79, %dma_wait3A_87] : memref<2x50176x16xf32, #tpu.memory_space<hbm>> -> memref<1x784x16xf32, #tpu.memory_space<hbm>>
      %dma_wait3A_89 = tpu.memref_squeeze %dma_wait3A_88 : memref<1x784x16xf32, #tpu.memory_space<hbm>> -> memref<784x16xf32, #tpu.memory_space<hbm>>
      tpu.wait_dma2 semaphore(%run_scoped3A : memref<!tpu.dma_semaphore, #tpu.memory_space<semaphore_mem>>) src(%arg16 : memref<784x16xf32, #tpu.memory_space<vmem>>) dst(%dma_wait3A_89 : memref<784x16xf32, #tpu.memory_space<hbm>>)
      tpu.yield
    }) : () -> ()
    return
  }
}

module attributes {stable_mosaic.version = 14 : i64} {
  func.func @_dinv_body(%arg0: memref<2x392x128xf32, #tpu.memory_space<vmem>>, %arg1: memref<392x128xf32, #tpu.memory_space<vmem>>) attributes {dimension_semantics = [], scalar_prefetch = 0 : i64, scratch_operands = 0 : i64, tpu.core_type = #tpu.core_type<tc>} {
    %get3A = arith.constant 0 : index
    %get3A_0 = arith.constant 0 : index
    %get3A_1 = arith.constant 0 : index
    %get3A_2 = vector.load %arg0[%get3A, %get3A_0, %get3A_1] : memref<2x392x128xf32, #tpu.memory_space<vmem>>, vector<1x392x128xf32>
    %get3A_3 = vector.shape_cast %get3A_2 : vector<1x392x128xf32> to vector<392x128xf32>
    %get3A_4 = arith.constant 1 : index
    %get3A_5 = arith.constant 0 : index
    %get3A_6 = arith.constant 0 : index
    %get3A_7 = vector.load %arg0[%get3A_4, %get3A_5, %get3A_6] : memref<2x392x128xf32, #tpu.memory_space<vmem>>, vector<1x392x128xf32>
    %get3A_8 = vector.shape_cast %get3A_7 : vector<1x392x128xf32> to vector<392x128xf32>
    %add3A = arith.addf %get3A_3, %get3A_8 : vector<392x128xf32>
    %rsqrt3A = math.rsqrt %add3A : vector<392x128xf32>
    %swap3A = arith.constant 0 : index
    %swap3A_9 = arith.constant 0 : index
    %swap3A_10 = vector.load %arg1[%swap3A, %swap3A_9] : memref<392x128xf32, #tpu.memory_space<vmem>>, vector<392x128xf32>
    tpu.vector_store %arg1[%swap3A, %swap3A_9], %rsqrt3A {strides = array<i32>} : memref<392x128xf32, #tpu.memory_space<vmem>>, vector<392x128xf32>,
    return
  }
}

module attributes {stable_mosaic.version = 14 : i64} {
  func.func @_dense_body(%arg0: i32, %arg1: memref<8x32xf32, #tpu.memory_space<vmem>>, %arg2: memref<2x16x1792xf32, #tpu.memory_space<vmem>>, %arg3: memref<1x1792xf32, #tpu.memory_space<vmem>>, %arg4: memref<1x1792xf32, #tpu.memory_space<vmem>>) attributes {dimension_semantics = [#tpu.dimension_semantics<arbitrary>], iteration_bounds = array<i64: 28>, scalar_prefetch = 0 : i64, scratch_operands = 0 : i64, tpu.core_type = #tpu.core_type<tc>, window_params = [{pipeline_mode = #tpu.pipeline_mode<synchronous>, transform_indices = @transform_0, window_bounds = array<i64: 8, 32>}, {transform_indices = @transform_1, window_bounds = array<i64: 2, 16, 1792>}, {transform_indices = @transform_2, window_bounds = array<i64: 1, 1792>}, {transform_indices = @transform_3, window_bounds = array<i64: 1, 1792>}]} {
    %get3A = arith.constant 0 : index
    %get3A_0 = arith.constant 0 : index
    %get3A_1 = vector.load %arg3[%get3A, %get3A_0] : memref<1x1792xf32, #tpu.memory_space<vmem>>, vector<1x1792xf32>
    %get3A_2 = arith.constant 0 : index
    %get3A_3 = arith.constant 0 : index
    %get3A_4 = arith.constant 0 : index
    %get3A_5 = vector.load %arg2[%get3A_2, %get3A_3, %get3A_4] : memref<2x16x1792xf32, #tpu.memory_space<vmem>>, vector<1x16x1792xf32>
    %get3A_6 = vector.shape_cast %get3A_5 : vector<1x16x1792xf32> to vector<16x1792xf32>
    %get3A_7 = arith.constant 1 : index
    %get3A_8 = arith.constant 0 : index
    %get3A_9 = arith.constant 0 : index
    %get3A_10 = vector.load %arg2[%get3A_7, %get3A_8, %get3A_9] : memref<2x16x1792xf32, #tpu.memory_space<vmem>>, vector<1x16x1792xf32>
    %get3A_11 = vector.shape_cast %get3A_10 : vector<1x16x1792xf32> to vector<16x1792xf32>
    %add3A = arith.addf %get3A_6, %get3A_11 : vector<16x1792xf32>
    %mul3A = vector.broadcast %get3A_1 : vector<1x1792xf32> to vector<16x1792xf32>
    %mul3A_12 = arith.mulf %mul3A, %add3A : vector<16x1792xf32>
    %get3A_13 = arith.constant 0 : index
    %get3A_14 = arith.constant 0 : index
    %get3A_15 = vector.load %arg1[%get3A_13, %get3A_14] : memref<8x32xf32, #tpu.memory_space<vmem>>, vector<1x32xf32>
    %get3A_16 = vector.shape_cast %get3A_15 : vector<1x32xf32> to vector<32xf32>
    %reshape3A = vector.shape_cast %get3A_16 : vector<32xf32> to vector<32x1xf32>
    %get3A_17 = arith.constant 1 : index
    %get3A_18 = arith.constant 0 : index
    %get3A_19 = vector.load %arg1[%get3A_17, %get3A_18] : memref<8x32xf32, #tpu.memory_space<vmem>>, vector<1x32xf32>
    %get3A_20 = vector.shape_cast %get3A_19 : vector<1x32xf32> to vector<32xf32>
    %reshape3A_21 = vector.shape_cast %get3A_20 : vector<32xf32> to vector<32x1xf32>
    %get3A_22 = arith.constant 2 : index
    %get3A_23 = arith.constant 0 : index
    %get3A_24 = vector.load %arg1[%get3A_22, %get3A_23] : memref<8x32xf32, #tpu.memory_space<vmem>>, vector<1x32xf32>
    %get3A_25 = vector.shape_cast %get3A_24 : vector<1x32xf32> to vector<32xf32>
    %reshape3A_26 = vector.shape_cast %get3A_25 : vector<32xf32> to vector<32x1xf32>
    %get3A_27 = arith.constant 3 : index
    %get3A_28 = arith.constant 0 : index
    %get3A_29 = vector.load %arg1[%get3A_27, %get3A_28] : memref<8x32xf32, #tpu.memory_space<vmem>>, vector<1x32xf32>
    %get3A_30 = vector.shape_cast %get3A_29 : vector<1x32xf32> to vector<32xf32>
    %reshape3A_31 = vector.shape_cast %get3A_30 : vector<32xf32> to vector<32x1xf32>
    %get3A_32 = arith.constant 4 : index
    %get3A_33 = arith.constant 0 : index
    %get3A_34 = vector.load %arg1[%get3A_32, %get3A_33] : memref<8x32xf32, #tpu.memory_space<vmem>>, vector<1x32xf32>
    %get3A_35 = vector.shape_cast %get3A_34 : vector<1x32xf32> to vector<32xf32>
    %reshape3A_36 = vector.shape_cast %get3A_35 : vector<32xf32> to vector<32x1xf32>
    %broadcast_in_dim3A = arith.constant 0.000000e+00 : f32
    %broadcast_in_dim3A_37 = vector.broadcast %broadcast_in_dim3A : f32 to vector<32x1792xf32>
    %slice3A = vector.extract_strided_slice %mul3A_12 {offsets = [0, 0], sizes = [1, 1792], strides = [1, 1]} : vector<16x1792xf32> to vector<1x1792xf32>
    %mul3A_38 = vector.broadcast %reshape3A : vector<32x1xf32> to vector<32x1792xf32>
    %mul3A_39 = vector.broadcast %slice3A : vector<1x1792xf32> to vector<32x1792xf32>
    %mul3A_40 = arith.mulf %mul3A_38, %mul3A_39 : vector<32x1792xf32>
    %add3A_41 = vector.broadcast %reshape3A_21 : vector<32x1xf32> to vector<32x1792xf32>
    %add3A_42 = arith.addf %mul3A_40, %add3A_41 : vector<32x1792xf32>
    %logistic3A = arith.negf %add3A_42 : vector<32x1792xf32>
    %logistic3A_43 = math.exp %logistic3A : vector<32x1792xf32>
    %logistic3A_44 = arith.constant 1.000000e+00 : f32
    %logistic3A_45 = vector.broadcast %logistic3A_44 : f32 to vector<32x1792xf32>
    %logistic3A_46 = arith.addf %logistic3A_45, %logistic3A_43 : vector<32x1792xf32>
    %logistic3A_47 = arith.divf %logistic3A_45, %logistic3A_46 : vector<32x1792xf32>
    %mul3A_48 = vector.broadcast %reshape3A_26 : vector<32x1xf32> to vector<32x1792xf32>
    %mul3A_49 = vector.broadcast %slice3A : vector<1x1792xf32> to vector<32x1792xf32>
    %mul3A_50 = arith.mulf %mul3A_48, %mul3A_49 : vector<32x1792xf32>
    %add3A_51 = vector.broadcast %reshape3A_31 : vector<32x1xf32> to vector<32x1792xf32>
    %add3A_52 = arith.addf %mul3A_50, %add3A_51 : vector<32x1792xf32>
    %tanh3A = math.tanh %add3A_52 : vector<32x1792xf32>
    %get3A_53 = arith.constant 5 : index
    %get3A_54 = arith.constant 0 : index
    %get3A_55 = vector.load %arg1[%get3A_53, %get3A_54] : memref<8x32xf32, #tpu.memory_space<vmem>>, vector<1x1xf32>
    %get3A_56 = vector.extract %get3A_55[0, 0] : f32 from vector<1x1xf32>
    %sub3A = arith.constant 1.000000e+00 : f32
    %sub3A_57 = vector.broadcast %sub3A : f32 to vector<32x1792xf32>
    %sub3A_58 = arith.subf %sub3A_57, %logistic3A_47 : vector<32x1792xf32>
    %mul3A_59 = arith.mulf %sub3A_58, %tanh3A : vector<32x1792xf32>
    %mul3A_60 = vector.broadcast %get3A_56 : f32 to vector<32x1792xf32>
    %mul3A_61 = arith.mulf %mul3A_60, %mul3A_59 : vector<32x1792xf32>
    %add3A_62 = arith.addf %broadcast_in_dim3A_37, %mul3A_61 : vector<32x1792xf32>
    %slice3A_63 = vector.extract_strided_slice %mul3A_12 {offsets = [1, 0], sizes = [1, 1792], strides = [1, 1]} : vector<16x1792xf32> to vector<1x1792xf32>
    %mul3A_64 = vector.broadcast %reshape3A : vector<32x1xf32> to vector<32x1792xf32>
    %mul3A_65 = vector.broadcast %slice3A_63 : vector<1x1792xf32> to vector<32x1792xf32>
    %mul3A_66 = arith.mulf %mul3A_64, %mul3A_65 : vector<32x1792xf32>
    %add3A_67 = vector.broadcast %reshape3A_21 : vector<32x1xf32> to vector<32x1792xf32>
    %add3A_68 = arith.addf %mul3A_66, %add3A_67 : vector<32x1792xf32>
    %logistic3A_69 = arith.negf %add3A_68 : vector<32x1792xf32>
    %logistic3A_70 = math.exp %logistic3A_69 : vector<32x1792xf32>
    %logistic3A_71 = arith.constant 1.000000e+00 : f32
    %logistic3A_72 = vector.broadcast %logistic3A_71 : f32 to vector<32x1792xf32>
    %logistic3A_73 = arith.addf %logistic3A_72, %logistic3A_70 : vector<32x1792xf32>
    %logistic3A_74 = arith.divf %logistic3A_72, %logistic3A_73 : vector<32x1792xf32>
    %mul3A_75 = vector.broadcast %reshape3A_26 : vector<32x1xf32> to vector<32x1792xf32>
    %mul3A_76 = vector.broadcast %slice3A_63 : vector<1x1792xf32> to vector<32x1792xf32>
    %mul3A_77 = arith.mulf %mul3A_75, %mul3A_76 : vector<32x1792xf32>
    %add3A_78 = vector.broadcast %reshape3A_31 : vector<32x1xf32> to vector<32x1792xf32>
    %add3A_79 = arith.addf %mul3A_77, %add3A_78 : vector<32x1792xf32>
    %tanh3A_80 = math.tanh %add3A_79 : vector<32x1792xf32>
    %get3A_81 = arith.constant 5 : index
    %get3A_82 = arith.constant 1 : index
    %get3A_83 = vector.load %arg1[%get3A_81, %get3A_82] : memref<8x32xf32, #tpu.memory_space<vmem>>, vector<1x1xf32>
    %get3A_84 = vector.extract %get3A_83[0, 0] : f32 from vector<1x1xf32>
    %sub3A_85 = arith.constant 1.000000e+00 : f32
    %sub3A_86 = vector.broadcast %sub3A_85 : f32 to vector<32x1792xf32>
    %sub3A_87 = arith.subf %sub3A_86, %logistic3A_74 : vector<32x1792xf32>
    %mul3A_88 = arith.mulf %sub3A_87, %tanh3A_80 : vector<32x1792xf32>
    %mul3A_89 = vector.broadcast %get3A_84 : f32 to vector<32x1792xf32>
    %mul3A_90 = arith.mulf %mul3A_89, %mul3A_88 : vector<32x1792xf32>
    %add3A_91 = arith.addf %add3A_62, %mul3A_90 : vector<32x1792xf32>
    %slice3A_92 = vector.extract_strided_slice %mul3A_12 {offsets = [2, 0], sizes = [1, 1792], strides = [1, 1]} : vector<16x1792xf32> to vector<1x1792xf32>
    %mul3A_93 = vector.broadcast %reshape3A : vector<32x1xf32> to vector<32x1792xf32>
    %mul3A_94 = vector.broadcast %slice3A_92 : vector<1x1792xf32> to vector<32x1792xf32>
    %mul3A_95 = arith.mulf %mul3A_93, %mul3A_94 : vector<32x1792xf32>
    %add3A_96 = vector.broadcast %reshape3A_21 : vector<32x1xf32> to vector<32x1792xf32>
    %add3A_97 = arith.addf %mul3A_95, %add3A_96 : vector<32x1792xf32>
    %logistic3A_98 = arith.negf %add3A_97 : vector<32x1792xf32>
    %logistic3A_99 = math.exp %logistic3A_98 : vector<32x1792xf32>
    %logistic3A_100 = arith.constant 1.000000e+00 : f32
    %logistic3A_101 = vector.broadcast %logistic3A_100 : f32 to vector<32x1792xf32>
    %logistic3A_102 = arith.addf %logistic3A_101, %logistic3A_99 : vector<32x1792xf32>
    %logistic3A_103 = arith.divf %logistic3A_101, %logistic3A_102 : vector<32x1792xf32>
    %mul3A_104 = vector.broadcast %reshape3A_26 : vector<32x1xf32> to vector<32x1792xf32>
    %mul3A_105 = vector.broadcast %slice3A_92 : vector<1x1792xf32> to vector<32x1792xf32>
    %mul3A_106 = arith.mulf %mul3A_104, %mul3A_105 : vector<32x1792xf32>
    %add3A_107 = vector.broadcast %reshape3A_31 : vector<32x1xf32> to vector<32x1792xf32>
    %add3A_108 = arith.addf %mul3A_106, %add3A_107 : vector<32x1792xf32>
    %tanh3A_109 = math.tanh %add3A_108 : vector<32x1792xf32>
    %get3A_110 = arith.constant 5 : index
    %get3A_111 = arith.constant 2 : index
    %get3A_112 = vector.load %arg1[%get3A_110, %get3A_111] : memref<8x32xf32, #tpu.memory_space<vmem>>, vector<1x1xf32>
    %get3A_113 = vector.extract %get3A_112[0, 0] : f32 from vector<1x1xf32>
    %sub3A_114 = arith.constant 1.000000e+00 : f32
    %sub3A_115 = vector.broadcast %sub3A_114 : f32 to vector<32x1792xf32>
    %sub3A_116 = arith.subf %sub3A_115, %logistic3A_103 : vector<32x1792xf32>
    %mul3A_117 = arith.mulf %sub3A_116, %tanh3A_109 : vector<32x1792xf32>
    %mul3A_118 = vector.broadcast %get3A_113 : f32 to vector<32x1792xf32>
    %mul3A_119 = arith.mulf %mul3A_118, %mul3A_117 : vector<32x1792xf32>
    %add3A_120 = arith.addf %add3A_91, %mul3A_119 : vector<32x1792xf32>
    %slice3A_121 = vector.extract_strided_slice %mul3A_12 {offsets = [3, 0], sizes = [1, 1792], strides = [1, 1]} : vector<16x1792xf32> to vector<1x1792xf32>
    %mul3A_122 = vector.broadcast %reshape3A : vector<32x1xf32> to vector<32x1792xf32>
    %mul3A_123 = vector.broadcast %slice3A_121 : vector<1x1792xf32> to vector<32x1792xf32>
    %mul3A_124 = arith.mulf %mul3A_122, %mul3A_123 : vector<32x1792xf32>
    %add3A_125 = vector.broadcast %reshape3A_21 : vector<32x1xf32> to vector<32x1792xf32>
    %add3A_126 = arith.addf %mul3A_124, %add3A_125 : vector<32x1792xf32>
    %logistic3A_127 = arith.negf %add3A_126 : vector<32x1792xf32>
    %logistic3A_128 = math.exp %logistic3A_127 : vector<32x1792xf32>
    %logistic3A_129 = arith.constant 1.000000e+00 : f32
    %logistic3A_130 = vector.broadcast %logistic3A_129 : f32 to vector<32x1792xf32>
    %logistic3A_131 = arith.addf %logistic3A_130, %logistic3A_128 : vector<32x1792xf32>
    %logistic3A_132 = arith.divf %logistic3A_130, %logistic3A_131 : vector<32x1792xf32>
    %mul3A_133 = vector.broadcast %reshape3A_26 : vector<32x1xf32> to vector<32x1792xf32>
    %mul3A_134 = vector.broadcast %slice3A_121 : vector<1x1792xf32> to vector<32x1792xf32>
    %mul3A_135 = arith.mulf %mul3A_133, %mul3A_134 : vector<32x1792xf32>
    %add3A_136 = vector.broadcast %reshape3A_31 : vector<32x1xf32> to vector<32x1792xf32>
    %add3A_137 = arith.addf %mul3A_135, %add3A_136 : vector<32x1792xf32>
    %tanh3A_138 = math.tanh %add3A_137 : vector<32x1792xf32>
    %get3A_139 = arith.constant 5 : index
    %get3A_140 = arith.constant 3 : index
    %get3A_141 = vector.load %arg1[%get3A_139, %get3A_140] : memref<8x32xf32, #tpu.memory_space<vmem>>, vector<1x1xf32>
    %get3A_142 = vector.extract %get3A_141[0, 0] : f32 from vector<1x1xf32>
    %sub3A_143 = arith.constant 1.000000e+00 : f32
    %sub3A_144 = vector.broadcast %sub3A_143 : f32 to vector<32x1792xf32>
    %sub3A_145 = arith.subf %sub3A_144, %logistic3A_132 : vector<32x1792xf32>
    %mul3A_146 = arith.mulf %sub3A_145, %tanh3A_138 : vector<32x1792xf32>
    %mul3A_147 = vector.broadcast %get3A_142 : f32 to vector<32x1792xf32>
    %mul3A_148 = arith.mulf %mul3A_147, %mul3A_146 : vector<32x1792xf32>
    %add3A_149 = arith.addf %add3A_120, %mul3A_148 : vector<32x1792xf32>
    %slice3A_150 = vector.extract_strided_slice %mul3A_12 {offsets = [4, 0], sizes = [1, 1792], strides = [1, 1]} : vector<16x1792xf32> to vector<1x1792xf32>
    %mul3A_151 = vector.broadcast %reshape3A : vector<32x1xf32> to vector<32x1792xf32>
    %mul3A_152 = vector.broadcast %slice3A_150 : vector<1x1792xf32> to vector<32x1792xf32>
    %mul3A_153 = arith.mulf %mul3A_151, %mul3A_152 : vector<32x1792xf32>
    %add3A_154 = vector.broadcast %reshape3A_21 : vector<32x1xf32> to vector<32x1792xf32>
    %add3A_155 = arith.addf %mul3A_153, %add3A_154 : vector<32x1792xf32>
    %logistic3A_156 = arith.negf %add3A_155 : vector<32x1792xf32>
    %logistic3A_157 = math.exp %logistic3A_156 : vector<32x1792xf32>
    %logistic3A_158 = arith.constant 1.000000e+00 : f32
    %logistic3A_159 = vector.broadcast %logistic3A_158 : f32 to vector<32x1792xf32>
    %logistic3A_160 = arith.addf %logistic3A_159, %logistic3A_157 : vector<32x1792xf32>
    %logistic3A_161 = arith.divf %logistic3A_159, %logistic3A_160 : vector<32x1792xf32>
    %mul3A_162 = vector.broadcast %reshape3A_26 : vector<32x1xf32> to vector<32x1792xf32>
    %mul3A_163 = vector.broadcast %slice3A_150 : vector<1x1792xf32> to vector<32x1792xf32>
    %mul3A_164 = arith.mulf %mul3A_162, %mul3A_163 : vector<32x1792xf32>
    %add3A_165 = vector.broadcast %reshape3A_31 : vector<32x1xf32> to vector<32x1792xf32>
    %add3A_166 = arith.addf %mul3A_164, %add3A_165 : vector<32x1792xf32>
    %tanh3A_167 = math.tanh %add3A_166 : vector<32x1792xf32>
    %get3A_168 = arith.constant 5 : index
    %get3A_169 = arith.constant 4 : index
    %get3A_170 = vector.load %arg1[%get3A_168, %get3A_169] : memref<8x32xf32, #tpu.memory_space<vmem>>, vector<1x1xf32>
    %get3A_171 = vector.extract %get3A_170[0, 0] : f32 from vector<1x1xf32>
    %sub3A_172 = arith.constant 1.000000e+00 : f32
    %sub3A_173 = vector.broadcast %sub3A_172 : f32 to vector<32x1792xf32>
    %sub3A_174 = arith.subf %sub3A_173, %logistic3A_161 : vector<32x1792xf32>
    %mul3A_175 = arith.mulf %sub3A_174, %tanh3A_167 : vector<32x1792xf32>
    %mul3A_176 = vector.broadcast %get3A_171 : f32 to vector<32x1792xf32>
    %mul3A_177 = arith.mulf %mul3A_176, %mul3A_175 : vector<32x1792xf32>
    %add3A_178 = arith.addf %add3A_149, %mul3A_177 : vector<32x1792xf32>
    %slice3A_179 = vector.extract_strided_slice %mul3A_12 {offsets = [5, 0], sizes = [1, 1792], strides = [1, 1]} : vector<16x1792xf32> to vector<1x1792xf32>
    %mul3A_180 = vector.broadcast %reshape3A : vector<32x1xf32> to vector<32x1792xf32>
    %mul3A_181 = vector.broadcast %slice3A_179 : vector<1x1792xf32> to vector<32x1792xf32>
    %mul3A_182 = arith.mulf %mul3A_180, %mul3A_181 : vector<32x1792xf32>
    %add3A_183 = vector.broadcast %reshape3A_21 : vector<32x1xf32> to vector<32x1792xf32>
    %add3A_184 = arith.addf %mul3A_182, %add3A_183 : vector<32x1792xf32>
    %logistic3A_185 = arith.negf %add3A_184 : vector<32x1792xf32>
    %logistic3A_186 = math.exp %logistic3A_185 : vector<32x1792xf32>
    %logistic3A_187 = arith.constant 1.000000e+00 : f32
    %logistic3A_188 = vector.broadcast %logistic3A_187 : f32 to vector<32x1792xf32>
    %logistic3A_189 = arith.addf %logistic3A_188, %logistic3A_186 : vector<32x1792xf32>
    %logistic3A_190 = arith.divf %logistic3A_188, %logistic3A_189 : vector<32x1792xf32>
    %mul3A_191 = vector.broadcast %reshape3A_26 : vector<32x1xf32> to vector<32x1792xf32>
    %mul3A_192 = vector.broadcast %slice3A_179 : vector<1x1792xf32> to vector<32x1792xf32>
    %mul3A_193 = arith.mulf %mul3A_191, %mul3A_192 : vector<32x1792xf32>
    %add3A_194 = vector.broadcast %reshape3A_31 : vector<32x1xf32> to vector<32x1792xf32>
    %add3A_195 = arith.addf %mul3A_193, %add3A_194 : vector<32x1792xf32>
    %tanh3A_196 = math.tanh %add3A_195 : vector<32x1792xf32>
    %get3A_197 = arith.constant 5 : index
    %get3A_198 = arith.constant 5 : index
    %get3A_199 = vector.load %arg1[%get3A_197, %get3A_198] : memref<8x32xf32, #tpu.memory_space<vmem>>, vector<1x1xf32>
    %get3A_200 = vector.extract %get3A_199[0, 0] : f32 from vector<1x1xf32>
    %sub3A_201 = arith.constant 1.000000e+00 : f32
    %sub3A_202 = vector.broadcast %sub3A_201 : f32 to vector<32x1792xf32>
    %sub3A_203 = arith.subf %sub3A_202, %logistic3A_190 : vector<32x1792xf32>
    %mul3A_204 = arith.mulf %sub3A_203, %tanh3A_196 : vector<32x1792xf32>
    %mul3A_205 = vector.broadcast %get3A_200 : f32 to vector<32x1792xf32>
    %mul3A_206 = arith.mulf %mul3A_205, %mul3A_204 : vector<32x1792xf32>
    %add3A_207 = arith.addf %add3A_178, %mul3A_206 : vector<32x1792xf32>
    %slice3A_208 = vector.extract_strided_slice %mul3A_12 {offsets = [6, 0], sizes = [1, 1792], strides = [1, 1]} : vector<16x1792xf32> to vector<1x1792xf32>
    %mul3A_209 = vector.broadcast %reshape3A : vector<32x1xf32> to vector<32x1792xf32>
    %mul3A_210 = vector.broadcast %slice3A_208 : vector<1x1792xf32> to vector<32x1792xf32>
    %mul3A_211 = arith.mulf %mul3A_209, %mul3A_210 : vector<32x1792xf32>
    %add3A_212 = vector.broadcast %reshape3A_21 : vector<32x1xf32> to vector<32x1792xf32>
    %add3A_213 = arith.addf %mul3A_211, %add3A_212 : vector<32x1792xf32>
    %logistic3A_214 = arith.negf %add3A_213 : vector<32x1792xf32>
    %logistic3A_215 = math.exp %logistic3A_214 : vector<32x1792xf32>
    %logistic3A_216 = arith.constant 1.000000e+00 : f32
    %logistic3A_217 = vector.broadcast %logistic3A_216 : f32 to vector<32x1792xf32>
    %logistic3A_218 = arith.addf %logistic3A_217, %logistic3A_215 : vector<32x1792xf32>
    %logistic3A_219 = arith.divf %logistic3A_217, %logistic3A_218 : vector<32x1792xf32>
    %mul3A_220 = vector.broadcast %reshape3A_26 : vector<32x1xf32> to vector<32x1792xf32>
    %mul3A_221 = vector.broadcast %slice3A_208 : vector<1x1792xf32> to vector<32x1792xf32>
    %mul3A_222 = arith.mulf %mul3A_220, %mul3A_221 : vector<32x1792xf32>
    %add3A_223 = vector.broadcast %reshape3A_31 : vector<32x1xf32> to vector<32x1792xf32>
    %add3A_224 = arith.addf %mul3A_222, %add3A_223 : vector<32x1792xf32>
    %tanh3A_225 = math.tanh %add3A_224 : vector<32x1792xf32>
    %get3A_226 = arith.constant 5 : index
    %get3A_227 = arith.constant 6 : index
    %get3A_228 = vector.load %arg1[%get3A_226, %get3A_227] : memref<8x32xf32, #tpu.memory_space<vmem>>, vector<1x1xf32>
    %get3A_229 = vector.extract %get3A_228[0, 0] : f32 from vector<1x1xf32>
    %sub3A_230 = arith.constant 1.000000e+00 : f32
    %sub3A_231 = vector.broadcast %sub3A_230 : f32 to vector<32x1792xf32>
    %sub3A_232 = arith.subf %sub3A_231, %logistic3A_219 : vector<32x1792xf32>
    %mul3A_233 = arith.mulf %sub3A_232, %tanh3A_225 : vector<32x1792xf32>
    %mul3A_234 = vector.broadcast %get3A_229 : f32 to vector<32x1792xf32>
    %mul3A_235 = arith.mulf %mul3A_234, %mul3A_233 : vector<32x1792xf32>
    %add3A_236 = arith.addf %add3A_207, %mul3A_235 : vector<32x1792xf32>
    %slice3A_237 = vector.extract_strided_slice %mul3A_12 {offsets = [7, 0], sizes = [1, 1792], strides = [1, 1]} : vector<16x1792xf32> to vector<1x1792xf32>
    %mul3A_238 = vector.broadcast %reshape3A : vector<32x1xf32> to vector<32x1792xf32>
    %mul3A_239 = vector.broadcast %slice3A_237 : vector<1x1792xf32> to vector<32x1792xf32>
    %mul3A_240 = arith.mulf %mul3A_238, %mul3A_239 : vector<32x1792xf32>
    %add3A_241 = vector.broadcast %reshape3A_21 : vector<32x1xf32> to vector<32x1792xf32>
    %add3A_242 = arith.addf %mul3A_240, %add3A_241 : vector<32x1792xf32>
    %logistic3A_243 = arith.negf %add3A_242 : vector<32x1792xf32>
    %logistic3A_244 = math.exp %logistic3A_243 : vector<32x1792xf32>
    %logistic3A_245 = arith.constant 1.000000e+00 : f32
    %logistic3A_246 = vector.broadcast %logistic3A_245 : f32 to vector<32x1792xf32>
    %logistic3A_247 = arith.addf %logistic3A_246, %logistic3A_244 : vector<32x1792xf32>
    %logistic3A_248 = arith.divf %logistic3A_246, %logistic3A_247 : vector<32x1792xf32>
    %mul3A_249 = vector.broadcast %reshape3A_26 : vector<32x1xf32> to vector<32x1792xf32>
    %mul3A_250 = vector.broadcast %slice3A_237 : vector<1x1792xf32> to vector<32x1792xf32>
    %mul3A_251 = arith.mulf %mul3A_249, %mul3A_250 : vector<32x1792xf32>
    %add3A_252 = vector.broadcast %reshape3A_31 : vector<32x1xf32> to vector<32x1792xf32>
    %add3A_253 = arith.addf %mul3A_251, %add3A_252 : vector<32x1792xf32>
    %tanh3A_254 = math.tanh %add3A_253 : vector<32x1792xf32>
    %get3A_255 = arith.constant 5 : index
    %get3A_256 = arith.constant 7 : index
    %get3A_257 = vector.load %arg1[%get3A_255, %get3A_256] : memref<8x32xf32, #tpu.memory_space<vmem>>, vector<1x1xf32>
    %get3A_258 = vector.extract %get3A_257[0, 0] : f32 from vector<1x1xf32>
    %sub3A_259 = arith.constant 1.000000e+00 : f32
    %sub3A_260 = vector.broadcast %sub3A_259 : f32 to vector<32x1792xf32>
    %sub3A_261 = arith.subf %sub3A_260, %logistic3A_248 : vector<32x1792xf32>
    %mul3A_262 = arith.mulf %sub3A_261, %tanh3A_254 : vector<32x1792xf32>
    %mul3A_263 = vector.broadcast %get3A_258 : f32 to vector<32x1792xf32>
    %mul3A_264 = arith.mulf %mul3A_263, %mul3A_262 : vector<32x1792xf32>
    %add3A_265 = arith.addf %add3A_236, %mul3A_264 : vector<32x1792xf32>
    %slice3A_266 = vector.extract_strided_slice %mul3A_12 {offsets = [8, 0], sizes = [1, 1792], strides = [1, 1]} : vector<16x1792xf32> to vector<1x1792xf32>
    %mul3A_267 = vector.broadcast %reshape3A : vector<32x1xf32> to vector<32x1792xf32>
    %mul3A_268 = vector.broadcast %slice3A_266 : vector<1x1792xf32> to vector<32x1792xf32>
    %mul3A_269 = arith.mulf %mul3A_267, %mul3A_268 : vector<32x1792xf32>
    %add3A_270 = vector.broadcast %reshape3A_21 : vector<32x1xf32> to vector<32x1792xf32>
    %add3A_271 = arith.addf %mul3A_269, %add3A_270 : vector<32x1792xf32>
    %logistic3A_272 = arith.negf %add3A_271 : vector<32x1792xf32>
    %logistic3A_273 = math.exp %logistic3A_272 : vector<32x1792xf32>
    %logistic3A_274 = arith.constant 1.000000e+00 : f32
    %logistic3A_275 = vector.broadcast %logistic3A_274 : f32 to vector<32x1792xf32>
    %logistic3A_276 = arith.addf %logistic3A_275, %logistic3A_273 : vector<32x1792xf32>
    %logistic3A_277 = arith.divf %logistic3A_275, %logistic3A_276 : vector<32x1792xf32>
    %mul3A_278 = vector.broadcast %reshape3A_26 : vector<32x1xf32> to vector<32x1792xf32>
    %mul3A_279 = vector.broadcast %slice3A_266 : vector<1x1792xf32> to vector<32x1792xf32>
    %mul3A_280 = arith.mulf %mul3A_278, %mul3A_279 : vector<32x1792xf32>
    %add3A_281 = vector.broadcast %reshape3A_31 : vector<32x1xf32> to vector<32x1792xf32>
    %add3A_282 = arith.addf %mul3A_280, %add3A_281 : vector<32x1792xf32>
    %tanh3A_283 = math.tanh %add3A_282 : vector<32x1792xf32>
    %get3A_284 = arith.constant 5 : index
    %get3A_285 = arith.constant 8 : index
    %get3A_286 = vector.load %arg1[%get3A_284, %get3A_285] : memref<8x32xf32, #tpu.memory_space<vmem>>, vector<1x1xf32>
    %get3A_287 = vector.extract %get3A_286[0, 0] : f32 from vector<1x1xf32>
    %sub3A_288 = arith.constant 1.000000e+00 : f32
    %sub3A_289 = vector.broadcast %sub3A_288 : f32 to vector<32x1792xf32>
    %sub3A_290 = arith.subf %sub3A_289, %logistic3A_277 : vector<32x1792xf32>
    %mul3A_291 = arith.mulf %sub3A_290, %tanh3A_283 : vector<32x1792xf32>
    %mul3A_292 = vector.broadcast %get3A_287 : f32 to vector<32x1792xf32>
    %mul3A_293 = arith.mulf %mul3A_292, %mul3A_291 : vector<32x1792xf32>
    %add3A_294 = arith.addf %add3A_265, %mul3A_293 : vector<32x1792xf32>
    %slice3A_295 = vector.extract_strided_slice %mul3A_12 {offsets = [9, 0], sizes = [1, 1792], strides = [1, 1]} : vector<16x1792xf32> to vector<1x1792xf32>
    %mul3A_296 = vector.broadcast %reshape3A : vector<32x1xf32> to vector<32x1792xf32>
    %mul3A_297 = vector.broadcast %slice3A_295 : vector<1x1792xf32> to vector<32x1792xf32>
    %mul3A_298 = arith.mulf %mul3A_296, %mul3A_297 : vector<32x1792xf32>
    %add3A_299 = vector.broadcast %reshape3A_21 : vector<32x1xf32> to vector<32x1792xf32>
    %add3A_300 = arith.addf %mul3A_298, %add3A_299 : vector<32x1792xf32>
    %logistic3A_301 = arith.negf %add3A_300 : vector<32x1792xf32>
    %logistic3A_302 = math.exp %logistic3A_301 : vector<32x1792xf32>
    %logistic3A_303 = arith.constant 1.000000e+00 : f32
    %logistic3A_304 = vector.broadcast %logistic3A_303 : f32 to vector<32x1792xf32>
    %logistic3A_305 = arith.addf %logistic3A_304, %logistic3A_302 : vector<32x1792xf32>
    %logistic3A_306 = arith.divf %logistic3A_304, %logistic3A_305 : vector<32x1792xf32>
    %mul3A_307 = vector.broadcast %reshape3A_26 : vector<32x1xf32> to vector<32x1792xf32>
    %mul3A_308 = vector.broadcast %slice3A_295 : vector<1x1792xf32> to vector<32x1792xf32>
    %mul3A_309 = arith.mulf %mul3A_307, %mul3A_308 : vector<32x1792xf32>
    %add3A_310 = vector.broadcast %reshape3A_31 : vector<32x1xf32> to vector<32x1792xf32>
    %add3A_311 = arith.addf %mul3A_309, %add3A_310 : vector<32x1792xf32>
    %tanh3A_312 = math.tanh %add3A_311 : vector<32x1792xf32>
    %get3A_313 = arith.constant 5 : index
    %get3A_314 = arith.constant 9 : index
    %get3A_315 = vector.load %arg1[%get3A_313, %get3A_314] : memref<8x32xf32, #tpu.memory_space<vmem>>, vector<1x1xf32>
    %get3A_316 = vector.extract %get3A_315[0, 0] : f32 from vector<1x1xf32>
    %sub3A_317 = arith.constant 1.000000e+00 : f32
    %sub3A_318 = vector.broadcast %sub3A_317 : f32 to vector<32x1792xf32>
    %sub3A_319 = arith.subf %sub3A_318, %logistic3A_306 : vector<32x1792xf32>
    %mul3A_320 = arith.mulf %sub3A_319, %tanh3A_312 : vector<32x1792xf32>
    %mul3A_321 = vector.broadcast %get3A_316 : f32 to vector<32x1792xf32>
    %mul3A_322 = arith.mulf %mul3A_321, %mul3A_320 : vector<32x1792xf32>
    %add3A_323 = arith.addf %add3A_294, %mul3A_322 : vector<32x1792xf32>
    %slice3A_324 = vector.extract_strided_slice %mul3A_12 {offsets = [10, 0], sizes = [1, 1792], strides = [1, 1]} : vector<16x1792xf32> to vector<1x1792xf32>
    %mul3A_325 = vector.broadcast %reshape3A : vector<32x1xf32> to vector<32x1792xf32>
    %mul3A_326 = vector.broadcast %slice3A_324 : vector<1x1792xf32> to vector<32x1792xf32>
    %mul3A_327 = arith.mulf %mul3A_325, %mul3A_326 : vector<32x1792xf32>
    %add3A_328 = vector.broadcast %reshape3A_21 : vector<32x1xf32> to vector<32x1792xf32>
    %add3A_329 = arith.addf %mul3A_327, %add3A_328 : vector<32x1792xf32>
    %logistic3A_330 = arith.negf %add3A_329 : vector<32x1792xf32>
    %logistic3A_331 = math.exp %logistic3A_330 : vector<32x1792xf32>
    %logistic3A_332 = arith.constant 1.000000e+00 : f32
    %logistic3A_333 = vector.broadcast %logistic3A_332 : f32 to vector<32x1792xf32>
    %logistic3A_334 = arith.addf %logistic3A_333, %logistic3A_331 : vector<32x1792xf32>
    %logistic3A_335 = arith.divf %logistic3A_333, %logistic3A_334 : vector<32x1792xf32>
    %mul3A_336 = vector.broadcast %reshape3A_26 : vector<32x1xf32> to vector<32x1792xf32>
    %mul3A_337 = vector.broadcast %slice3A_324 : vector<1x1792xf32> to vector<32x1792xf32>
    %mul3A_338 = arith.mulf %mul3A_336, %mul3A_337 : vector<32x1792xf32>
    %add3A_339 = vector.broadcast %reshape3A_31 : vector<32x1xf32> to vector<32x1792xf32>
    %add3A_340 = arith.addf %mul3A_338, %add3A_339 : vector<32x1792xf32>
    %tanh3A_341 = math.tanh %add3A_340 : vector<32x1792xf32>
    %get3A_342 = arith.constant 5 : index
    %get3A_343 = arith.constant 10 : index
    %get3A_344 = vector.load %arg1[%get3A_342, %get3A_343] : memref<8x32xf32, #tpu.memory_space<vmem>>, vector<1x1xf32>
    %get3A_345 = vector.extract %get3A_344[0, 0] : f32 from vector<1x1xf32>
    %sub3A_346 = arith.constant 1.000000e+00 : f32
    %sub3A_347 = vector.broadcast %sub3A_346 : f32 to vector<32x1792xf32>
    %sub3A_348 = arith.subf %sub3A_347, %logistic3A_335 : vector<32x1792xf32>
    %mul3A_349 = arith.mulf %sub3A_348, %tanh3A_341 : vector<32x1792xf32>
    %mul3A_350 = vector.broadcast %get3A_345 : f32 to vector<32x1792xf32>
    %mul3A_351 = arith.mulf %mul3A_350, %mul3A_349 : vector<32x1792xf32>
    %add3A_352 = arith.addf %add3A_323, %mul3A_351 : vector<32x1792xf32>
    %slice3A_353 = vector.extract_strided_slice %mul3A_12 {offsets = [11, 0], sizes = [1, 1792], strides = [1, 1]} : vector<16x1792xf32> to vector<1x1792xf32>
    %mul3A_354 = vector.broadcast %reshape3A : vector<32x1xf32> to vector<32x1792xf32>
    %mul3A_355 = vector.broadcast %slice3A_353 : vector<1x1792xf32> to vector<32x1792xf32>
    %mul3A_356 = arith.mulf %mul3A_354, %mul3A_355 : vector<32x1792xf32>
    %add3A_357 = vector.broadcast %reshape3A_21 : vector<32x1xf32> to vector<32x1792xf32>
    %add3A_358 = arith.addf %mul3A_356, %add3A_357 : vector<32x1792xf32>
    %logistic3A_359 = arith.negf %add3A_358 : vector<32x1792xf32>
    %logistic3A_360 = math.exp %logistic3A_359 : vector<32x1792xf32>
    %logistic3A_361 = arith.constant 1.000000e+00 : f32
    %logistic3A_362 = vector.broadcast %logistic3A_361 : f32 to vector<32x1792xf32>
    %logistic3A_363 = arith.addf %logistic3A_362, %logistic3A_360 : vector<32x1792xf32>
    %logistic3A_364 = arith.divf %logistic3A_362, %logistic3A_363 : vector<32x1792xf32>
    %mul3A_365 = vector.broadcast %reshape3A_26 : vector<32x1xf32> to vector<32x1792xf32>
    %mul3A_366 = vector.broadcast %slice3A_353 : vector<1x1792xf32> to vector<32x1792xf32>
    %mul3A_367 = arith.mulf %mul3A_365, %mul3A_366 : vector<32x1792xf32>
    %add3A_368 = vector.broadcast %reshape3A_31 : vector<32x1xf32> to vector<32x1792xf32>
    %add3A_369 = arith.addf %mul3A_367, %add3A_368 : vector<32x1792xf32>
    %tanh3A_370 = math.tanh %add3A_369 : vector<32x1792xf32>
    %get3A_371 = arith.constant 5 : index
    %get3A_372 = arith.constant 11 : index
    %get3A_373 = vector.load %arg1[%get3A_371, %get3A_372] : memref<8x32xf32, #tpu.memory_space<vmem>>, vector<1x1xf32>
    %get3A_374 = vector.extract %get3A_373[0, 0] : f32 from vector<1x1xf32>
    %sub3A_375 = arith.constant 1.000000e+00 : f32
    %sub3A_376 = vector.broadcast %sub3A_375 : f32 to vector<32x1792xf32>
    %sub3A_377 = arith.subf %sub3A_376, %logistic3A_364 : vector<32x1792xf32>
    %mul3A_378 = arith.mulf %sub3A_377, %tanh3A_370 : vector<32x1792xf32>
    %mul3A_379 = vector.broadcast %get3A_374 : f32 to vector<32x1792xf32>
    %mul3A_380 = arith.mulf %mul3A_379, %mul3A_378 : vector<32x1792xf32>
    %add3A_381 = arith.addf %add3A_352, %mul3A_380 : vector<32x1792xf32>
    %max3A = arith.constant 0.000000e+00 : f32
    %max3A_382 = vector.broadcast %max3A : f32 to vector<32x1792xf32>
    %max3A_383 = arith.maximumf %add3A_381, %max3A_382 : vector<32x1792xf32>
    %mul3A_384 = vector.broadcast %reshape3A_36 : vector<32x1xf32> to vector<32x1792xf32>
    %mul3A_385 = arith.mulf %max3A_383, %mul3A_384 : vector<32x1792xf32>
    %reduce_sum3A = arith.constant dense<0.000000e+00> : vector<1792xf32>
    %reduce_sum3A_386 = vector.multi_reduction <add>, %mul3A_385, %reduce_sum3A [0] : vector<32x1792xf32> to vector<1792xf32>
    %broadcast_in_dim3A_387 = vector.shape_cast %reduce_sum3A_386 : vector<1792xf32> to vector<1x1792xf32>
    %get3A_388 = arith.constant 6 : index
    %get3A_389 = arith.constant 0 : index
    %get3A_390 = vector.load %arg1[%get3A_388, %get3A_389] : memref<8x32xf32, #tpu.memory_space<vmem>>, vector<1x1xf32>
    %get3A_391 = vector.extract %get3A_390[0, 0] : f32 from vector<1x1xf32>
    %add3A_392 = vector.broadcast %get3A_391 : f32 to vector<1x1792xf32>
    %add3A_393 = arith.addf %broadcast_in_dim3A_387, %add3A_392 : vector<1x1792xf32>
    %swap3A = arith.constant 0 : index
    %swap3A_394 = arith.constant 0 : index
    %swap3A_395 = vector.load %arg4[%swap3A, %swap3A_394] : memref<1x1792xf32, #tpu.memory_space<vmem>>, vector<1x1792xf32>
    tpu.vector_store %arg4[%swap3A, %swap3A_394], %add3A_393 {strides = array<i32>} : memref<1x1792xf32, #tpu.memory_space<vmem>>, vector<1x1792xf32>,
    return
  }
  func.func @transform_0(%arg0: i32) -> (i32, i32) {
    %c0_i32 = arith.constant 0 : i32
    %c0_i32_0 = arith.constant 0 : i32
    %c0_i32_1 = arith.constant 0 : i32
    return %c0_i32, %c0_i32_0 : i32, i32
  }
  func.func @transform_1(%arg0: i32) -> (i32, i32, i32) {
    %c0_i32 = arith.constant 0 : i32
    %c0_i32_0 = arith.constant 0 : i32
    %c0_i32_1 = arith.constant 0 : i32
    return %c0_i32, %c0_i32_0, %arg0 : i32, i32, i32
  }
  func.func @transform_2(%arg0: i32) -> (i32, i32) {
    %c0_i32 = arith.constant 0 : i32
    %c0_i32_0 = arith.constant 0 : i32
    return %c0_i32, %arg0 : i32, i32
  }
  func.func @transform_3(%arg0: i32) -> (i32, i32) {
    %c0_i32 = arith.constant 0 : i32
    %c0_i32_0 = arith.constant 0 : i32
    return %c0_i32, %arg0 : i32, i32
  }
}

</mosaic_0001>

<sc_bundles>
// kernel: kernel.6.cloned.1.call-start
scs
__scs_entry_jumppad:
0x0: {  	(pc) =	sbr.rel $0x88, $3  }
0x1: {  	(tag) =	ssettag $0x0;
	lr =	simm.s32 $0x1  }
0x2: {  	[smem:$0x3F93] =	sst lr;
	_ =	strace $0xD0000000  }
0x3: {  	_ = 	snop  }
0x4: {  	_ = 	snop  }
0x5: {  	_ = 	snop  }
0x6: {  	_ = 	snop  }
0x7: {  	_ = 	snop  }
__scs_overlays_trampoline_lowered:
0x8: {  	[smem:$0x3FA2] =	sst s0  }
0x9: {  	[smem:$0x3FA3] =	sst s1  }
0xa: {  	[smem:$0x3FA4] =	sst s2  }
0xb: {  	[smem:$0x3FA5] =	sst s3  }
0xc: {  	[smem:$0x3FA6] =	sst s4  }
0xd: {  	[smem:$0x3FA7] =	sst s5  }
0xe: {  	[smem:$0x3FA8] =	sst s6  }
0xf: {  	[smem:$0x3FA9] =	sst s7  }
0x10: {  	[smem:$0x3FAA] =	sst s8  }
0x11: {  	[smem:$0x3FAB] =	sst s9;
	s0 =	simm.s32 @!p0 $0x0  }
0x12: {  	s1 =	sld [smem:$0x3F91];
	s0 =	simm.s32 @p0 $0x1  }
0x13: {  	[smem:$0x3FAC] =	sst s0;
	s0 =	simm.s32 @!p1 $0x0  }
0x14: {  	s2 =	sld [smem:$0x3F90];
	s0 =	simm.s32 @p1 $0x1  }
0x15: {  	[smem:$0x3FAD] =	sst s0;
	s0 =	simm.s32 @!p2 $0x0  }
0x16: {  	s3 =	sld [smem:$0x3FDB];
	s0 =	simm.s32 @p2 $0x1  }
0x17: {  	s4 =	simm.s32 $0x1BF5;
	[smem:$0x3FAF] =	sst s0  }
0x18: {  	s0 =	sld [smem:$0x3F92];
	_ =	swait.ge [sflag:s4], $0x0  }
0x19: {  	s7 =	sld [smem:$0x3F93]  }
0x1a: {  	s8 =	sadd.s32 $0xFFFFE003, lr  }
0x1b: {  	s9 =	sadd.s32 $0xFFFFFEF7, lr;
	s5 =	simm.s32 $0xFFFFFFFF;
	p2 =	slt.u32 s8, $0xFFFFF086  }
0x1c: {  	p1 =	slt.u32 s9, $0xF7A;
	s5 =	simm.s32 @!p2 $0x0  }
0x1d: {  	s5 =	simm.s32 @p1 $0x1;
	p0 =	seq.s32 s7, s2  }
0x1e: {  	s7 =	smul.u32 @!p0 $0xF7A, s2;
	p2 =	seq.s32 @!p0 s5, $0x0  }
0x1f: {  	s9 =	smul.u32 $0xF7A, s1;
	s8 =	simm.s32 @!p0 $0x1BF5;
	p2 =	por !p2, p0  }
0x20: {  	[sflag:s8] =	ssyncset.s32 @!p0 $0xFFFFF086;
	s6 =	sadd.s32 @!p0 s3, s7;
	s7 =	simm.s32 @!p0 $0x108  }
0x21: {  	s3 =	sadd.s32 s3, s9;
	s6 =	sadd.s32 @!p0 $0x88, s6;
	s7 =	simm.s32 @p2 $0x1082  }
0x22: {  	[simem:s7], [sflag:s8] =	dma.local @!p0 [hbm:s6], $0xF7A  }
0x23: {  	s9 =	sor.u32 $0xD0000000, s2;
	s6 =	simm.s32 $0x108;
	_ =	swait.ge @!p0 [sflag:s8], $0x0  }
0x24: {  	s3 =	sadd.s32 $0x88, s3;
	s6 =	simm.s32 @!p1 $0x1082;
	[sflag:s4] =	ssyncset.s32 $0xFFFFF086  }
0x25: {  	[simem:s6], [sflag:s4] =	dma.local [hbm:s3], $0xF7A  }
0x26: {  	[smem:$0x3F93] =	sst s1;
	(tag) =	ssettag s2;
	_ =	strace s9  }
0x27: {  	s1 =	sld [smem:$0x3FA3]  }
0x28: {  	s2 =	sld [smem:$0x3FA4]  }
0x29: {  	s4 =	sld [smem:$0x3FA6]  }
0x2a: {  	p0 =	seq.s32 s5, $0x0;
	s5 =	sld [smem:$0x3FA7]  }
0x2b: {  	s6 =	sld [smem:$0x3FA8]  }
0x2c: {  	s7 =	sld [smem:$0x3FA9]  }
0x2d: {  	s3 =	simm.s32 $0x108;
	s8 =	sld [smem:$0x3FAA]  }
0x2e: {  	s3 =	simm.s32 @!p0 $0x1082;
	s9 =	sld [smem:$0x3FAB]  }
0x2f: {  	lr =	sadd.s32 s0, s3;
	s0 =	sld [smem:$0x3FA2]  }
0x30: {  	s3 =	sld [smem:$0x3FA5]  }
0x31: {  	[smem:$0x3FAE] =	sst s10  }
0x32: {  	s10 =	sld [smem:$0x3FAC];
	_ =	sdelay $0x3  }
0x33: {  	p0 =	seq.s32 s10, $0x1;
	s10 =	sld [smem:$0x3FAE];
	_ =	sdelay $0x3  }
0x34: {  	[smem:$0x3FAE] =	sst s10  }
0x35: {  	s10 =	sld [smem:$0x3FAD];
	_ =	sdelay $0x3  }
0x36: {  	p1 =	seq.s32 s10, $0x1;
	s10 =	sld [smem:$0x3FAE];
	_ =	sdelay $0x3  }
0x37: {  	[smem:$0x3FAE] =	sst s10  }
0x38: {  	s10 =	sld [smem:$0x3FAF]  }
0x39: {  	_ = 	snop;
	(pc) =	sbr.ind lr, $3  }
0x3a: {  	_ = 	snop  }
0x3b: {  	_ = 	snop  }
0x3c: {  	p2 =	seq.s32 s10, $0x1;
	s10 =	sld [smem:$0x3FAE]  }
0x3d: {  	_ =	shalt  }
0x3e: {  	_ =	shalt  }
0x3f: {  	_ =	shalt  }
0x40: {  	_ =	shalt  }
0x41: {  	_ =	shalt  }
0x42: {  	_ =	shalt  }
0x43: {  	_ =	shalt  }
0x44: {  	_ =	shalt  }
0x45: {  	_ =	shalt  }
0x46: {  	_ =	shalt  }
0x47: {  	_ =	shalt  }
0x48: {  	_ =	shalt  }
0x49: {  	_ =	shalt  }
0x4a: {  	_ =	shalt  }
0x4b: {  	_ =	shalt  }
0x4c: {  	_ =	shalt  }
0x4d: {  	_ =	shalt  }
0x4e: {  	_ =	shalt  }
0x4f: {  	_ =	shalt  }
0x50: {  	_ =	shalt  }
0x51: {  	_ =	shalt  }
0x52: {  	_ =	shalt  }
0x53: {  	_ =	shalt  }
0x54: {  	_ =	shalt  }
0x55: {  	_ =	shalt  }
0x56: {  	_ =	shalt  }
0x57: {  	_ =	shalt  }
0x58: {  	_ =	shalt  }
0x59: {  	_ =	shalt  }
0x5a: {  	_ =	shalt  }
0x5b: {  	_ =	shalt  }
0x5c: {  	_ =	shalt  }
0x5d: {  	_ =	shalt  }
0x5e: {  	_ =	shalt  }
0x5f: {  	_ =	shalt  }
0x60: {  	_ =	shalt  }
0x61: {  	_ =	shalt  }
0x62: {  	_ =	shalt  }
0x63: {  	_ =	shalt  }
0x64: {  	_ =	shalt  }
0x65: {  	_ =	shalt  }
0x66: {  	_ =	shalt  }
0x67: {  	_ =	shalt  }
0x68: {  	_ =	shalt  }
0x69: {  	_ =	shalt  }
0x6a: {  	_ =	shalt  }
0x6b: {  	_ =	shalt  }
0x6c: {  	_ =	shalt  }
0x6d: {  	_ =	shalt  }
0x6e: {  	_ =	shalt  }
0x6f: {  	_ =	shalt  }
0x70: {  	_ =	shalt  }
0x71: {  	_ =	shalt  }
0x72: {  	_ =	shalt  }
0x73: {  	_ =	shalt  }
0x74: {  	_ =	shalt  }
0x75: {  	_ =	shalt  }
0x76: {  	_ =	shalt  }
0x77: {  	_ =	shalt  }
0x78: {  	_ =	shalt  }
0x79: {  	_ =	shalt  }
0x7a: {  	_ =	shalt  }
0x7b: {  	_ =	shalt  }
0x7c: {  	_ =	shalt  }
0x7d: {  	_ =	shalt  }
0x7e: {  	_ =	shalt  }
0x7f: {  	_ =	shalt  }
0x80: {  	_ =	shalt  }
0x81: {  	_ =	shalt  }
0x82: {  	_ =	shalt  }
0x83: {  	_ =	shalt  }
0x84: {  	_ =	shalt  }
0x85: {  	_ =	shalt  }
0x86: {  	_ =	shalt  }
0x87: {  	_ =	shalt  }
.Lfunc_end0:
.L_simem_size_0:
called_computation_lowered:
.L_overlay_start_0:
0x88: {  	s2 =	sld [smem:$0x3FD9]  }
0x89: {  	s3 =	sld [smem:$0x3FFE];
	_ =	sdelay $0x1  }
0x8a: {  	s1 =	srdreg.scid  }
0x8b: {  	s0 =	sand.u32 $0x1, s1  }
0x8c: {  	s16 =	sshll.u32 s0, $0xA;
	s2 =	sadd.s32 s3, s2  }
0x8d: {  	s2 =	sadd.s32 s2, s16  }
0x8e: {  	[smem:$0x3FBA] =	sst s2  }
0x8f: {  	_ = 	snop  }
0x90: {  	(tm) =	ssettm $0x1  }
0x91: {  	s17 =	sld [smem:$0x3FFB];
	_ =	sdelay $0x3  }
0x92: {  	_ =	strace s17  }
0x93: {  	s2 =	sld [smem:$0x3FFC];
	_ =	sdelay $0x3  }
0x94: {  	_ =	strace s2  }
0x95: {  	s2 =	sld [smem:$0x3FFD];
	_ =	sdelay $0x3  }
0x96: {  	_ =	strace s2  }
0x97: {  	_ =	strace $0x8FFFFFFF  }
0x98: {  	s18 =	sld [smem:$0x3FDB];
	_ =	sdelay $0x1  }
0x99: {  	s19 =	simm.s32 $_scs_section_size  }
0x9a: {  	s4 =	simm.s32 $_size__tile_overlayer_lowered;
	s5 =	simm.s32 $_tile_overlayer_lowered  }
0x9b: {  	s22 =	simm.s32 $0x1BFF;
	s21 =	sshll.u32 s5, $0x1;
	s2 =	sadd.s32 s19, s18  }
0x9c: {  	s6 =	simm.s32 $0x0;
	s20 =	sshll.u32 s4, $0x1;
	s4 =	sadd.s32 s21, s2  }
0x9d: {  	[timem:s6], [sflag:s22] =	dma.local [hbm:s4], s20  }
0x9e: {  	_ =	swait.ge [sflag:s22], s20  }
0x9f: {  	s3 =	ssub.s32 $0x0, s20;
	[sflag:s22] =	ssyncset.done $0x0  }
0xa0: {  	[sflag:s22] =	ssyncadd.s32 s3;
	_ =	sdelay $0x1  }
0xa1: {  	s23 =	simm.s32 $0x1B8B  }
0xa2: {  	_ =	swait.ge [sflag:s23], $0x1  }
0xa3: {  	[sflag:s23] =	ssyncset.done $0x0  }
0xa4: {  	s25 =	simm.s32 $0x1B8E;
	s24 =	sld [smem:$0x3FFE];
	[sflag:s23] =	ssyncadd.s32 $0xFFFFFFFF  }
0xa5: {  	s26 =	simm.s32 $execute0_lowered;
	[smem:$0x3FD2] =	sst s25  }
0xa6: {  	s4 =	sshll.u32 s26, $0x1;
	_ =	strace $0x80000046;
	[dreg:$0x1] =	wrdreg $0xFFFFFFFF  }
0xa7: {  	s28 =	simm.s32 $_size_execute0_lowered;
	s2 =	sadd.s32 s2, s4;
	[dreg:$0x0] =	wrdreg $0x0  }
0xa8: {  	s4 =	sshll.u32 s28, $0x1;
	[dreg:$0x2] =	wrdreg s2  }
0xa9: {  	[dreg:$0x3] =	wrdreg s4  }
0xaa: {  	[dreg:$0x4] =	wrdreg $0xC0  }
0xab: {  	_ =	task [dreg:s6], $0x5FFFF  }
0xac: {  	[dreg:$0x1] =	wrdreg $0xFFFFFFFF  }
0xad: {  	[dreg:$0x0] =	wrdreg $0x60  }
0xae: {  	[dreg:$0x2] =	wrdreg s24  }
0xaf: {  	[dreg:$0x3] =	wrdreg $0x0  }
0xb0: {  	[dreg:$0x4] =	wrdreg $0x9  }
0xb1: {  	_ =	task.clear_ibuf [dreg:s6], $0x5FFFF;
	_ =	strace $0x90000046  }
0xb2: {  	s29 =	simm.s32 $0x9;
	_ =	strace $0x80000048  }
0xb3: {  	_ =	swait.ge [sflag:s29], $0x1  }
0xb4: {  	[sflag:s29] =	ssyncadd.s32 $0xFFFFFFFF  }
0xb5: {  	_ =	strace $0x90000048  }
0xb6: {  	_ =	sfence  }
0xb7: {  	s30 =	sld [smem:$0x0];
	_ =	sdelay $0x2  }
0xb8: {  	s31 =	sshll.u32 s1, $0xD;
	s1 =	sshrl.u32 s1, $0x2  }
0xb9: {  	s3 =	sand.u32 $0x4000, s31;
	s1 =	sadd.s32 s1, s30  }
0xba: {  	s0 =	sor.u32 s3, s0;
	s1 =	sshll.u32 s1, $0x11  }
0xbb: {  	s0 =	sor.u32 s1, s0  }
0xbc: {  	s0 =	sadd.s32 $0x8F2B, s0  }
0xbd: {  	[sflag:s0] =	ssyncadd.remote.s32 $0x1  }
0xbe: {  	_ =	sfence.sel $0xFFFF  }
0xbf: {  	[dreg:$0x0] =	wrdreg $0xFFFFFFFF;
	(pc) =	sbr.abs _section_cstart, $3  }
0xc0: {  	[dreg:$0x1] =	wrdreg $0xFFFFFFFF  }
0xc1: {  	_ =	task.clear_ibuf [dreg:s6], $0x2FFFF;
	_ =	strace $0x9FFFFFFF  }
0xc2: {  	(tm) =	ssettm $0x7FFFFFFF  }
0xc3: {  	_ =	shalt  }
tec
execute0_lowered:
.L_overlay_start_1:
0x0: {  	(tag) =	ssettag $0x1  }
0x1: {  	s4 =	rddreg [dreg:$0x0]  }
0x2: {  	s2 =	rddreg [dreg:$0x1]  }
0x3: {  	s0 =	rddreg [dreg:$0x2];
	s5 =	srdreg.scid  }
0x4: {  	s1 =	stileid.u32;
	s3 =	simm.s32 $0x0;
	s14 =	simm.s32 $0x2  }
0x5: {  	s15 =	simm.s32 $0xC40;
	s16 =	simm.s32 $0x3040;
	s17 =	simm.s32 $0x80  }
0x6: {  	s18 =	simm.s32 $0x1;
	s19 =	simm.s32 $0x0;
	s5 =	sand.u32 $0x1, s5  }
0x7: {  	s6 =	smul.u32 $0xC40, s1;
	[smem:$0x7FF] =	sst s3;
	s9 =	sshll.u32 s1, $0x1  }
0x8: {  	s7 =	smul.u32 $0xC400, s5;
	s8 =	ssub.s32 $0x2, s5;
	s5 =	sor.u32 s5, s9  }
0x9: {  	s11 =	sadd.s32 $0x1200, s4;
	s12 =	sadd.s32 $0x1C200, s4;
	s13 =	smul.u32 $0xD80, s5  }
0xa: {  	_ =	strace $0x80000047;
	s10 =	sshrl.u32 s8, $0x1;
	s7 =	sadd.s32 s6, s7  }
0xb: {  	s8 =	ssub.s32 s8, s10;
	s7 =	sshrl.u32 s7, $0x3;
	s31 =	sadd.s32 $0x480, s13  }
0xc: {  	s7 =	sadd.s32 s7, s4;
	s4 =	sadd.s32 s6, s2;
	s6 =	smax.u32 s8, $0x1  }
0xd: {  	s8 =	sadd.s32 s12, s13;
	s9 =	sadd.s32 s11, s31;
	s10 =	sadd.s32 s12, s31  }
0xe: {  	s5 =	sadd.s32 $0x37200, s7;
	s7 =	sadd.s32 s11, s13;
	s13 =	sadd.s32 $0x900, s13  }
0xf: {  	v0 =	vimm.f32 $0.0e+00;
	s11 =	sadd.s32 s11, s13;
	s12 =	sadd.s32 s12, s13;
	s13 =	simm.s32 $0x5440  }
.LBB2_1:
0x10: {  	s20 =	simm.s32 $0x40;
	s21 =	simm.s32 $0x0  }
.LBB2_2:
0x11: {  	p0 =	sne.s32 s20, $0x30C0;
	[tilespmem:s21+$0x5440] =	vst v0;
	s21 =	smov.u32 s20;
	s20 =	sadd.s32 $0x40, s20  }
.Ltmp0:
0x12: {  	(pc) =	sbr.rel @p0 .LBB2_2-.Ltmp0, $2  }
0x13: {  	_ =	sdelay $0x2  }
0x14: {  	s21 =	sshra.s32 s21, $0x2  }
0x15: {  	[tilespmem:s21+$0x5440] =	vst v0  }
0x16: {  	[spmem:s4] =	stream.linear.scatter [tilespmem:s13], [sflag:$0x2], $0xC40, $0x38;
	[tilespmem:$0x6080] =	vst v63  }
0x17: {  	_ =	swait.ge [sflag:s14], $0xC40  }
0x18: {  	[sflag:s14] =	ssyncset.done $0x0  }
0x19: {  	[sflag:s14] =	ssyncadd.s32 $0xFFFFF3C0  }
0x1a: {  	s20 =	simm.s32 $0x0;
	[bflag:$0x0] =	sbarrier.arrive $0xFFFF  }
0x1b: {  	[tilespmem:s15], [sflag:$0x2] =	stream.linear.gather [hbm4b:s7+s20], $0x2400, $0x38;
	[tilespmem:$0x6080] =	vst v63  }
0x1c: {  	_ =	swait.ge [sflag:s14], $0x2400  }
0x1d: {  	[sflag:s14] =	ssyncset.done $0x0  }
0x1e: {  	[sflag:s14] =	ssyncadd.s32 $0xFFFFDC00  }
0x1f: {  	[tilespmem:s16], [sflag:$0x2] =	stream.linear.gather [hbm4b:s8+s20], $0x2400, $0x38;
	[tilespmem:$0x6080] =	vst v63  }
0x20: {  	_ =	swait.ge [sflag:s14], $0x2400  }
0x21: {  	[sflag:s14] =	ssyncset.done $0x0  }
0x22: {  	[sflag:s14] =	ssyncadd.s32 $0xFFFFDC00  }
.LBB2_4:
0x23: {  	p0 =	sne.s32 s20, $0x8E00  }
.Ltmp1:
0x24: {  	_ = 	snop;
	(pc) =	sbr.rel @p0 .LBB2_4-.Ltmp1, $4  }
0x25: {  	_ = 	snop  }
0x26: {  	s21 =	sshra.s32 s20, $0x2  }
0x27: {  	s20 =	sadd.s32 $0x200, s20;
	s22 =	sadd.s32 $0x3040, s21;
	s21 =	sadd.s32 $0xC40, s21  }
0x28: {  	[spmem:s2] =	stream.indirect.scatter.add.f32 [tilespmem:s22], [sflag:$0x1], $0x1, s21, s17, $0xb8;
	[tilespmem:$0x6080] =	vst v63  }
0x29: {  	_ =	swait.ge [sflag:s18], $0x80  }
0x2a: {  	s20 =	simm.s32 $0x47;
	[sflag:s18] =	ssyncset.done $0x0  }
.LBB2_6:
0x2b: {  	p0 =	sne.s32 s20, $0x1;
	s20 =	sadd.s32 $0xFFFFFFFF, s20;
	[sflag:s18] =	ssyncadd.s32 $0xFFFFFF80  }
.Ltmp2:
0x2c: {  	(pc) =	sbr.rel @p0 .LBB2_6-.Ltmp2, $3  }
0x2d: {  	_ =	sdelay $0x1  }
0x2e: {  	_ =	swait.ge [sflag:s18], $0x80  }
0x2f: {  	[sflag:s18] =	ssyncset.done $0x0  }
0x30: {  	[sflag:s18] =	ssyncadd.s32 $0xFFFFFF80;
	s20 =	simm.s32 $0x0  }
0x31: {  	[tilespmem:s15], [sflag:$0x2] =	stream.linear.gather [hbm4b:s9+s20], $0x2400, $0x38;
	[tilespmem:$0x6080] =	vst v63  }
0x32: {  	_ =	swait.ge [sflag:s14], $0x2400  }
0x33: {  	[sflag:s14] =	ssyncset.done $0x0  }
0x34: {  	[sflag:s14] =	ssyncadd.s32 $0xFFFFDC00  }
0x35: {  	[tilespmem:s16], [sflag:$0x2] =	stream.linear.gather [hbm4b:s10+s20], $0x2400, $0x38;
	[tilespmem:$0x6080] =	vst v63  }
0x36: {  	_ =	swait.ge [sflag:s14], $0x2400  }
0x37: {  	[sflag:s14] =	ssyncset.done $0x0  }
0x38: {  	[sflag:s14] =	ssyncadd.s32 $0xFFFFDC00  }
.LBB2_8:
0x39: {  	p0 =	sne.s32 s20, $0x8E00  }
.Ltmp3:
0x3a: {  	_ = 	snop;
	(pc) =	sbr.rel @p0 .LBB2_8-.Ltmp3, $4  }
0x3b: {  	_ = 	snop  }
0x3c: {  	s21 =	sshra.s32 s20, $0x2  }
0x3d: {  	s20 =	sadd.s32 $0x200, s20;
	s22 =	sadd.s32 $0x3040, s21;
	s21 =	sadd.s32 $0xC40, s21  }
0x3e: {  	[spmem:s2] =	stream.indirect.scatter.add.f32 [tilespmem:s22], [sflag:$0x1], $0x1, s21, s17, $0xb8;
	[tilespmem:$0x6080] =	vst v63  }
0x3f: {  	_ =	swait.ge [sflag:s18], $0x80  }
0x40: {  	s20 =	simm.s32 $0x47;
	[sflag:s18] =	ssyncset.done $0x0  }
.LBB2_10:
0x41: {  	p0 =	sne.s32 s20, $0x1;
	s20 =	sadd.s32 $0xFFFFFFFF, s20;
	[sflag:s18] =	ssyncadd.s32 $0xFFFFFF80  }
.Ltmp4:
0x42: {  	(pc) =	sbr.rel @p0 .LBB2_10-.Ltmp4, $3  }
0x43: {  	_ =	sdelay $0x1  }
0x44: {  	_ =	swait.ge [sflag:s18], $0x80  }
0x45: {  	[sflag:s18] =	ssyncset.done $0x0  }
0x46: {  	[sflag:s18] =	ssyncadd.s32 $0xFFFFFF80;
	s20 =	simm.s32 $0x0  }
0x47: {  	[tilespmem:s15], [sflag:$0x2] =	stream.linear.gather [hbm4b:s11+s20], $0x2400, $0x38;
	[tilespmem:$0x6080] =	vst v63  }
0x48: {  	_ =	swait.ge [sflag:s14], $0x2400  }
0x49: {  	[sflag:s14] =	ssyncset.done $0x0  }
0x4a: {  	[sflag:s14] =	ssyncadd.s32 $0xFFFFDC00  }
0x4b: {  	[tilespmem:s16], [sflag:$0x2] =	stream.linear.gather [hbm4b:s12+s20], $0x2400, $0x38;
	[tilespmem:$0x6080] =	vst v63  }
0x4c: {  	_ =	swait.ge [sflag:s14], $0x2400  }
0x4d: {  	[sflag:s14] =	ssyncset.done $0x0  }
0x4e: {  	[sflag:s14] =	ssyncadd.s32 $0xFFFFDC00  }
.LBB2_12:
0x4f: {  	p0 =	sne.s32 s20, $0x8E00  }
.Ltmp5:
0x50: {  	_ = 	snop;
	(pc) =	sbr.rel @p0 .LBB2_12-.Ltmp5, $4  }
0x51: {  	_ = 	snop  }
0x52: {  	s21 =	sshra.s32 s20, $0x2  }
0x53: {  	s20 =	sadd.s32 $0x200, s20;
	s22 =	sadd.s32 $0x3040, s21;
	s21 =	sadd.s32 $0xC40, s21  }
0x54: {  	[spmem:s2] =	stream.indirect.scatter.add.f32 [tilespmem:s22], [sflag:$0x1], $0x1, s21, s17, $0xb8;
	[tilespmem:$0x6080] =	vst v63  }
0x55: {  	_ =	swait.ge [sflag:s18], $0x80  }
0x56: {  	s20 =	simm.s32 $0x47;
	[sflag:s18] =	ssyncset.done $0x0  }
.LBB2_14:
0x57: {  	p0 =	sne.s32 s20, $0x1;
	s20 =	sadd.s32 $0xFFFFFFFF, s20;
	[sflag:s18] =	ssyncadd.s32 $0xFFFFFF80  }
.Ltmp6:
0x58: {  	(pc) =	sbr.rel @p0 .LBB2_14-.Ltmp6, $3  }
0x59: {  	_ =	sdelay $0x1  }
0x5a: {  	_ =	swait.ge [sflag:s18], $0x80  }
0x5b: {  	[sflag:s18] =	ssyncset.done $0x0  }
0x5c: {  	[sflag:s18] =	ssyncadd.s32 $0xFFFFFF80  }
0x5d: {  	[bflag:$0x0] =	sbarrier.arrive $0xFFFF  }
0x5e: {  	[tilespmem:s13], [sflag:$0x2] =	stream.linear.gather [spmem:s4], $0xC40, $0x38;
	[tilespmem:$0x6080] =	vst v63  }
0x5f: {  	s19 =	sadd.s32 $0x1, s19;
	_ =	swait.ge [sflag:s14], $0xC40  }
0x60: {  	p0 =	sne.s32 s19, s6;
	[sflag:s14] =	ssyncset.done $0x0  }
.Ltmp7:
0x61: {  	[sflag:s14] =	ssyncadd.s32 $0xFFFFF3C0;
	(pc) =	sbr.rel @p0 .LBB2_1-.Ltmp7, $4  }
0x62: {  	[hbm4b:s5+s3] =	stream.linear.scatter [tilespmem:s13], [sflag:$0x2], $0xC40, $0x38;
	[tilespmem:$0x6080] =	vst v63  }
0x63: {  	_ =	swait.ge [sflag:s14], $0xC40  }
0x64: {  	[sflag:s14] =	ssyncset.done $0x0  }
0x65: {  	[sflag:s14] =	ssyncadd.s32 $0xFFFFF3C0  }
0x66: {  	_ =	sfence.sel $0x180000  }
0x67: {  	[bflag:$0x0] =	sbarrier.arrive $0xFFFF  }
0x68: {  	p0 =	sne.s32 s1, $0x0;
	_ =	strace $0x90000047  }
0x69: {  	s0 =	sadd.s32 @!p0 $0x100000, s0;
	[bflag:$0x2] =	sbarrier.arrive $0xFFFF  }
0x6a: {  	[sflag:s0] =	ssyncadd.tile.s32 @!p0 $0x1;
	_ =	shalt  }
.Lfunc_end2:
_tile_overlayer_lowered:
.L_overlay_start_2:
0x6b: {  	(tag) =	ssettag $0x2  }
0x6c: {  	s0 =	rddreg [dreg:$0x0];
	s2 =	stileid.u32  }
0x6d: {  	s1 =	rddreg [dreg:$0x1];
	p0 =	sne.s32 s2, $0x0  }
0x6e: {  	s3 =	rddreg [dreg:$0x2];
	[bflag:$0x3] =	sbarrier.arrive $0xFFFF;
	s2 =	simm.s32 @!p0 $0x1C02  }
0x6f: {  	[timem:s3], [sflag:s2] =	dma.local @!p0 [hbm:s0], s1  }
0x70: {  	s0 =	simm.s32 @!p0 $0x2  }
0x71: {  	_ =	swait.ge @!p0 [sflag:s0], s1  }
0x72: {  	s1 =	ssub.s32 @!p0 $0x0, s1;
	[sflag:s0] =	ssyncset.done @!p0 $0x0  }
0x73: {  	[sflag:s0] =	ssyncadd.s32 @!p0 s1  }
0x74: {  	[bflag:$0x3] =	sbarrier.arrive $0xFFFF  }
0x75: {  	_ =	shalt  }

// kernel: kernel.9.cloned.1.call-start
scs
__scs_entry_jumppad:
0x0: {  	(pc) =	sbr.rel $0x88, $3  }
0x1: {  	(tag) =	ssettag $0x0;
	lr =	simm.s32 $0x1  }
0x2: {  	[smem:$0x3F93] =	sst lr;
	_ =	strace $0xD0000000  }
0x3: {  	_ = 	snop  }
0x4: {  	_ = 	snop  }
0x5: {  	_ = 	snop  }
0x6: {  	_ = 	snop  }
0x7: {  	_ = 	snop  }
__scs_overlays_trampoline_lowered:
0x8: {  	[smem:$0x3FA2] =	sst s0  }
0x9: {  	[smem:$0x3FA3] =	sst s1  }
0xa: {  	[smem:$0x3FA4] =	sst s2  }
0xb: {  	[smem:$0x3FA5] =	sst s3  }
0xc: {  	[smem:$0x3FA6] =	sst s4  }
0xd: {  	[smem:$0x3FA7] =	sst s5  }
0xe: {  	[smem:$0x3FA8] =	sst s6  }
0xf: {  	[smem:$0x3FA9] =	sst s7  }
0x10: {  	[smem:$0x3FAA] =	sst s8  }
0x11: {  	[smem:$0x3FAB] =	sst s9;
	s0 =	simm.s32 @!p0 $0x0  }
0x12: {  	s1 =	sld [smem:$0x3F91];
	s0 =	simm.s32 @p0 $0x1  }
0x13: {  	[smem:$0x3FAC] =	sst s0;
	s0 =	simm.s32 @!p1 $0x0  }
0x14: {  	s2 =	sld [smem:$0x3F90];
	s0 =	simm.s32 @p1 $0x1  }
0x15: {  	[smem:$0x3FAD] =	sst s0;
	s0 =	simm.s32 @!p2 $0x0  }
0x16: {  	s3 =	sld [smem:$0x3FDB];
	s0 =	simm.s32 @p2 $0x1  }
0x17: {  	s4 =	simm.s32 $0x1BF5;
	[smem:$0x3FAF] =	sst s0  }
0x18: {  	s0 =	sld [smem:$0x3F92];
	_ =	swait.ge [sflag:s4], $0x0  }
0x19: {  	s7 =	sld [smem:$0x3F93]  }
0x1a: {  	s8 =	sadd.s32 $0xFFFFE003, lr  }
0x1b: {  	s9 =	sadd.s32 $0xFFFFFEF7, lr;
	s5 =	simm.s32 $0xFFFFFFFF;
	p2 =	slt.u32 s8, $0xFFFFF086  }
0x1c: {  	p1 =	slt.u32 s9, $0xF7A;
	s5 =	simm.s32 @!p2 $0x0  }
0x1d: {  	s5 =	simm.s32 @p1 $0x1;
	p0 =	seq.s32 s7, s2  }
0x1e: {  	s7 =	smul.u32 @!p0 $0xF7A, s2;
	p2 =	seq.s32 @!p0 s5, $0x0  }
0x1f: {  	s9 =	smul.u32 $0xF7A, s1;
	s8 =	simm.s32 @!p0 $0x1BF5;
	p2 =	por !p2, p0  }
0x20: {  	[sflag:s8] =	ssyncset.s32 @!p0 $0xFFFFF086;
	s6 =	sadd.s32 @!p0 s3, s7;
	s7 =	simm.s32 @!p0 $0x108  }
0x21: {  	s3 =	sadd.s32 s3, s9;
	s6 =	sadd.s32 @!p0 $0x88, s6;
	s7 =	simm.s32 @p2 $0x1082  }
0x22: {  	[simem:s7], [sflag:s8] =	dma.local @!p0 [hbm:s6], $0xF7A  }
0x23: {  	s9 =	sor.u32 $0xD0000000, s2;
	s6 =	simm.s32 $0x108;
	_ =	swait.ge @!p0 [sflag:s8], $0x0  }
0x24: {  	s3 =	sadd.s32 $0x88, s3;
	s6 =	simm.s32 @!p1 $0x1082;
	[sflag:s4] =	ssyncset.s32 $0xFFFFF086  }
0x25: {  	[simem:s6], [sflag:s4] =	dma.local [hbm:s3], $0xF7A  }
0x26: {  	[smem:$0x3F93] =	sst s1;
	(tag) =	ssettag s2;
	_ =	strace s9  }
0x27: {  	s1 =	sld [smem:$0x3FA3]  }
0x28: {  	s2 =	sld [smem:$0x3FA4]  }
0x29: {  	s4 =	sld [smem:$0x3FA6]  }
0x2a: {  	p0 =	seq.s32 s5, $0x0;
	s5 =	sld [smem:$0x3FA7]  }
0x2b: {  	s6 =	sld [smem:$0x3FA8]  }
0x2c: {  	s7 =	sld [smem:$0x3FA9]  }
0x2d: {  	s3 =	simm.s32 $0x108;
	s8 =	sld [smem:$0x3FAA]  }
0x2e: {  	s3 =	simm.s32 @!p0 $0x1082;
	s9 =	sld [smem:$0x3FAB]  }
0x2f: {  	lr =	sadd.s32 s0, s3;
	s0 =	sld [smem:$0x3FA2]  }
0x30: {  	s3 =	sld [smem:$0x3FA5]  }
0x31: {  	[smem:$0x3FAE] =	sst s10  }
0x32: {  	s10 =	sld [smem:$0x3FAC];
	_ =	sdelay $0x3  }
0x33: {  	p0 =	seq.s32 s10, $0x1;
	s10 =	sld [smem:$0x3FAE];
	_ =	sdelay $0x3  }
0x34: {  	[smem:$0x3FAE] =	sst s10  }
0x35: {  	s10 =	sld [smem:$0x3FAD];
	_ =	sdelay $0x3  }
0x36: {  	p1 =	seq.s32 s10, $0x1;
	s10 =	sld [smem:$0x3FAE];
	_ =	sdelay $0x3  }
0x37: {  	[smem:$0x3FAE] =	sst s10  }
0x38: {  	s10 =	sld [smem:$0x3FAF]  }
0x39: {  	_ = 	snop;
	(pc) =	sbr.ind lr, $3  }
0x3a: {  	_ = 	snop  }
0x3b: {  	_ = 	snop  }
0x3c: {  	p2 =	seq.s32 s10, $0x1;
	s10 =	sld [smem:$0x3FAE]  }
0x3d: {  	_ =	shalt  }
0x3e: {  	_ =	shalt  }
0x3f: {  	_ =	shalt  }
0x40: {  	_ =	shalt  }
0x41: {  	_ =	shalt  }
0x42: {  	_ =	shalt  }
0x43: {  	_ =	shalt  }
0x44: {  	_ =	shalt  }
0x45: {  	_ =	shalt  }
0x46: {  	_ =	shalt  }
0x47: {  	_ =	shalt  }
0x48: {  	_ =	shalt  }
0x49: {  	_ =	shalt  }
0x4a: {  	_ =	shalt  }
0x4b: {  	_ =	shalt  }
0x4c: {  	_ =	shalt  }
0x4d: {  	_ =	shalt  }
0x4e: {  	_ =	shalt  }
0x4f: {  	_ =	shalt  }
0x50: {  	_ =	shalt  }
0x51: {  	_ =	shalt  }
0x52: {  	_ =	shalt  }
0x53: {  	_ =	shalt  }
0x54: {  	_ =	shalt  }
0x55: {  	_ =	shalt  }
0x56: {  	_ =	shalt  }
0x57: {  	_ =	shalt  }
0x58: {  	_ =	shalt  }
0x59: {  	_ =	shalt  }
0x5a: {  	_ =	shalt  }
0x5b: {  	_ =	shalt  }
0x5c: {  	_ =	shalt  }
0x5d: {  	_ =	shalt  }
0x5e: {  	_ =	shalt  }
0x5f: {  	_ =	shalt  }
0x60: {  	_ =	shalt  }
0x61: {  	_ =	shalt  }
0x62: {  	_ =	shalt  }
0x63: {  	_ =	shalt  }
0x64: {  	_ =	shalt  }
0x65: {  	_ =	shalt  }
0x66: {  	_ =	shalt  }
0x67: {  	_ =	shalt  }
0x68: {  	_ =	shalt  }
0x69: {  	_ =	shalt  }
0x6a: {  	_ =	shalt  }
0x6b: {  	_ =	shalt  }
0x6c: {  	_ =	shalt  }
0x6d: {  	_ =	shalt  }
0x6e: {  	_ =	shalt  }
0x6f: {  	_ =	shalt  }
0x70: {  	_ =	shalt  }
0x71: {  	_ =	shalt  }
0x72: {  	_ =	shalt  }
0x73: {  	_ =	shalt  }
0x74: {  	_ =	shalt  }
0x75: {  	_ =	shalt  }
0x76: {  	_ =	shalt  }
0x77: {  	_ =	shalt  }
0x78: {  	_ =	shalt  }
0x79: {  	_ =	shalt  }
0x7a: {  	_ =	shalt  }
0x7b: {  	_ =	shalt  }
0x7c: {  	_ =	shalt  }
0x7d: {  	_ =	shalt  }
0x7e: {  	_ =	shalt  }
0x7f: {  	_ =	shalt  }
0x80: {  	_ =	shalt  }
0x81: {  	_ =	shalt  }
0x82: {  	_ =	shalt  }
0x83: {  	_ =	shalt  }
0x84: {  	_ =	shalt  }
0x85: {  	_ =	shalt  }
0x86: {  	_ =	shalt  }
0x87: {  	_ =	shalt  }
.Lfunc_end0:
.L_simem_size_0:
called_computation.1_lowered:
.L_overlay_start_0:
0x88: {  	s2 =	sld [smem:$0x3FD9]  }
0x89: {  	s3 =	sld [smem:$0x3FFE];
	_ =	sdelay $0x1  }
0x8a: {  	s1 =	srdreg.scid  }
0x8b: {  	s0 =	sand.u32 $0x1, s1  }
0x8c: {  	s16 =	sshll.u32 s0, $0xA;
	s2 =	sadd.s32 s3, s2  }
0x8d: {  	s2 =	sadd.s32 s2, s16  }
0x8e: {  	[smem:$0x3FBA] =	sst s2  }
0x8f: {  	_ = 	snop  }
0x90: {  	(tm) =	ssettm $0x1  }
0x91: {  	s17 =	sld [smem:$0x3FFB];
	_ =	sdelay $0x3  }
0x92: {  	_ =	strace s17  }
0x93: {  	s2 =	sld [smem:$0x3FFC];
	_ =	sdelay $0x3  }
0x94: {  	_ =	strace s2  }
0x95: {  	s2 =	sld [smem:$0x3FFD];
	_ =	sdelay $0x3  }
0x96: {  	_ =	strace s2  }
0x97: {  	_ =	strace $0x8FFFFFFF  }
0x98: {  	s18 =	sld [smem:$0x3FDB];
	_ =	sdelay $0x1  }
0x99: {  	s19 =	simm.s32 $_scs_section_size  }
0x9a: {  	s4 =	simm.s32 $_size__tile_overlayer_lowered;
	s5 =	simm.s32 $_tile_overlayer_lowered  }
0x9b: {  	s22 =	simm.s32 $0x1BFF;
	s21 =	sshll.u32 s5, $0x1;
	s2 =	sadd.s32 s19, s18  }
0x9c: {  	s6 =	simm.s32 $0x0;
	s20 =	sshll.u32 s4, $0x1;
	s4 =	sadd.s32 s21, s2  }
0x9d: {  	[timem:s6], [sflag:s22] =	dma.local [hbm:s4], s20  }
0x9e: {  	_ =	swait.ge [sflag:s22], s20  }
0x9f: {  	s3 =	ssub.s32 $0x0, s20;
	[sflag:s22] =	ssyncset.done $0x0  }
0xa0: {  	[sflag:s22] =	ssyncadd.s32 s3;
	_ =	sdelay $0x1  }
0xa1: {  	s23 =	simm.s32 $0x1B8B  }
0xa2: {  	_ =	swait.ge [sflag:s23], $0x1  }
0xa3: {  	[sflag:s23] =	ssyncset.done $0x0  }
0xa4: {  	s25 =	simm.s32 $0x1B8E;
	s24 =	sld [smem:$0x3FFE];
	[sflag:s23] =	ssyncadd.s32 $0xFFFFFFFF  }
0xa5: {  	s26 =	simm.s32 $execute0_lowered;
	[smem:$0x3FD2] =	sst s25  }
0xa6: {  	s4 =	sshll.u32 s26, $0x1;
	_ =	strace $0x80000049;
	[dreg:$0x1] =	wrdreg $0xFFFFFFFF  }
0xa7: {  	s28 =	simm.s32 $_size_execute0_lowered;
	s2 =	sadd.s32 s2, s4;
	[dreg:$0x0] =	wrdreg $0x0  }
0xa8: {  	s4 =	sshll.u32 s28, $0x1;
	[dreg:$0x2] =	wrdreg s2  }
0xa9: {  	[dreg:$0x3] =	wrdreg s4  }
0xaa: {  	[dreg:$0x4] =	wrdreg $0xC0  }
0xab: {  	_ =	task [dreg:s6], $0x5FFFF  }
0xac: {  	[dreg:$0x1] =	wrdreg $0xFFFFFFFF  }
0xad: {  	[dreg:$0x0] =	wrdreg $0x60  }
0xae: {  	[dreg:$0x2] =	wrdreg s24  }
0xaf: {  	[dreg:$0x3] =	wrdreg $0x0  }
0xb0: {  	[dreg:$0x4] =	wrdreg $0xC4000  }
0xb1: {  	[dreg:$0x5] =	wrdreg $0x9  }
0xb2: {  	_ =	task.clear_ibuf [dreg:s6], $0x6FFFF;
	_ =	strace $0x90000049  }
0xb3: {  	s29 =	simm.s32 $0x9;
	_ =	strace $0x8000004B  }
0xb4: {  	_ =	swait.ge [sflag:s29], $0x1  }
0xb5: {  	[sflag:s29] =	ssyncadd.s32 $0xFFFFFFFF  }
0xb6: {  	_ =	strace $0x9000004B  }
0xb7: {  	_ =	sfence  }
0xb8: {  	s30 =	sld [smem:$0x0];
	_ =	sdelay $0x2  }
0xb9: {  	s31 =	sshll.u32 s1, $0xD;
	s1 =	sshrl.u32 s1, $0x2  }
0xba: {  	s3 =	sand.u32 $0x4000, s31;
	s1 =	sadd.s32 s1, s30  }
0xbb: {  	s0 =	sor.u32 s3, s0;
	s1 =	sshll.u32 s1, $0x11  }
0xbc: {  	s0 =	sor.u32 s1, s0  }
0xbd: {  	s0 =	sadd.s32 $0x8F2B, s0  }
0xbe: {  	[sflag:s0] =	ssyncadd.remote.s32 $0x1  }
0xbf: {  	_ =	sfence.sel $0xFFFF  }
0xc0: {  	[dreg:$0x0] =	wrdreg $0xFFFFFFFF;
	(pc) =	sbr.abs _section_cstart, $3  }
0xc1: {  	[dreg:$0x1] =	wrdreg $0xFFFFFFFF  }
0xc2: {  	_ =	task.clear_ibuf [dreg:s6], $0x2FFFF;
	_ =	strace $0x9FFFFFFF  }
0xc3: {  	(tm) =	ssettm $0x7FFFFFFF  }
tec
execute0_lowered:
.L_overlay_start_1:
0x0: {  	(tag) =	ssettag $0x1  }
0x1: {  	s0 =	rddreg [dreg:$0x0]  }
0x2: {  	s1 =	rddreg [dreg:$0x1]  }
0x3: {  	s2 =	rddreg [dreg:$0x2]  }
0x4: {  	s3 =	simm.s32 $0x0;
	s6 =	srdreg.scid;
	s4 =	stileid.u32  }
0x5: {  	s29 =	simm.s32 $0x80;
	[smem:$0x7FF] =	sst s3;
	s30 =	sadd.s32 $0x52C00, s0  }
0x6: {  	s5 =	sadd.s32 $0x1200, s0;
	s7 =	sadd.s32 $0x1C200, s0;
	s31 =	sadd.s32 $0x37200, s0  }
0x7: {  	s8 =	sadd.s32 $0x3A400, s0;
	s6 =	sand.u32 $0x1, s6;
	s10 =	smul.u32 $0xC400, s4  }
0x8: {  	s0 =	sadd.s32 $0x6DC00, s0;
	s12 =	sshll.u32 s4, $0x1;
	s13 =	smul.u32 $0xC40, s4  }
0x9: {  	_ =	strace $0x8000004A;
	[dreg:$0x4] =	wrdreg s30;
	s9 =	ssub.s32 $0x2, s6  }
0xa: {  	s18 =	sor.u32 s6, s12;
	s6 =	smul.u32 $0xC4000, s6;
	s11 =	sshrl.u32 s9, $0x1  }
0xb: {  	s21 =	sadd.s32 $0x3100, s10;
	s4 =	sadd.s32 s10, s1;
	s14 =	sadd.s32 $0x620, s13  }
0xc: {  	s16 =	sadd.s32 $0x9300, s10;
	s17 =	sshrl.u32 s13, $0x3;
	s13 =	sadd.s32 s13, s2  }
0xd: {  	s9 =	ssub.s32 s9, s11;
	s19 =	sadd.s32 s21, s1;
	s15 =	sshll.u32 s14, $0x4  }
0xe: {  	s23 =	sadd.s32 s16, s1;
	s17 =	sadd.s32 s31, s17;
	s22 =	sshrl.u32 s14, $0x3  }
0xf: {  	s10 =	sadd.s32 s10, s6;
	[dreg:$0xa] =	wrdreg s13;
	s25 =	sadd.s32 s14, s2  }
0x10: {  	s26 =	sadd.s32 s6, s21;
	s14 =	simm.s32 $0xD140;
	[dreg:$0x5] =	wrdreg s4  }
0x11: {  	s21 =	simm.s32 $0x9;
	s20 =	sadd.s32 s15, s1;
	[dreg:$0x9] =	wrdreg s17  }
0x12: {  	s3 =	sadd.s32 s31, s22;
	s24 =	sshrl.u32 s10, $0x3;
	[dreg:$0xc] =	wrdreg s25  }
0x13: {  	s17 =	smul.u32 $0xD8, s18;
	s28 =	sadd.s32 s6, s15;
	[dreg:$0x6] =	wrdreg s19  }
0x14: {  	s6 =	sadd.s32 s6, s16;
	s31 =	smax.u32 s9, $0x1;
	[dreg:$0x8] =	wrdreg s23  }
0x15: {  	s9 =	simm.s32 $0x16E40;
	s18 =	simm.s32 $0xD1C0;
	[dreg:$0xb] =	wrdreg s3  }
0x16: {  	s22 =	simm.s32 $0xA;
	s3 =	sadd.s32 s0, s24;
	[dreg:$0x11] =	wrdreg s31  }
0x17: {  	s10 =	sshrl.u32 s28, $0x3;
	s6 =	sshrl.u32 s6, $0x3;
	[dreg:$0x7] =	wrdreg s20  }
0x18: {  	[dreg:$0xd] =	wrdreg s3;
	s3 =	sshrl.u32 s26, $0x3;
	s30 =	sadd.s32 s0, s10  }
0x19: {  	s24 =	simm.s32 $0xB;
	s3 =	sadd.s32 s0, s3;
	[dreg:$0xf] =	wrdreg s30  }
0x1a: {  	s26 =	simm.s32 $0xD040;
	s0 =	sadd.s32 s0, s6;
	[dreg:$0xe] =	wrdreg s3  }
0x1b: {  	v0 =	vimm.f32 $0.0e+00;
	s6 =	simm.s32 $0x0;
	[dreg:$0x10] =	wrdreg s0;
	s0 =	simm.s32 $0xD0C0  }
.LBB2_1:
0x1c: {  	[dreg:$0x12] =	wrdreg s6;
	s3 =	simm.s32 $0x40;
	s6 =	simm.s32 $0x0  }
.LBB2_2:
0x1d: {  	p0 =	sne.s32 s3, $0xC3C0;
	[tilespmem:s6+$0x16E40] =	vst v0;
	s6 =	smov.u32 s3;
	s3 =	sadd.s32 $0x40, s3  }
.Ltmp0:
0x1e: {  	(pc) =	sbr.rel @p0 .LBB2_2-.Ltmp0, $2  }
0x1f: {  	_ =	sdelay $0x2  }
0x20: {  	s6 =	sshra.s32 s6, $0x2  }
0x21: {  	[tilespmem:s6+$0x16E40] =	vst v0  }
0x22: {  	[spmem:s4] =	stream.linear.scatter [tilespmem:s9], [sflag:$0xB], $0x3100, $0x38;
	[tilespmem:$0x1A560] =	vst v63  }
0x23: {  	_ =	swait.ge [sflag:s24], $0x3100  }
0x24: {  	[sflag:s24] =	ssyncset.done $0x0  }
0x25: {  	[sflag:s24] =	ssyncadd.s32 $0xFFFFCF00  }
0x26: {  	[spmem:s19] =	stream.linear.scatter [tilespmem:s9], [sflag:$0xB], $0x3100, $0x38;
	[tilespmem:$0x1A560] =	vst v63  }
0x27: {  	_ =	swait.ge [sflag:s24], $0x3100  }
0x28: {  	[sflag:s24] =	ssyncset.done $0x0  }
0x29: {  	[sflag:s24] =	ssyncadd.s32 $0xFFFFCF00  }
0x2a: {  	[spmem:s20] =	stream.linear.scatter [tilespmem:s9], [sflag:$0xB], $0x3100, $0x38;
	[tilespmem:$0x1A560] =	vst v63  }
0x2b: {  	_ =	swait.ge [sflag:s24], $0x3100  }
0x2c: {  	[sflag:s24] =	ssyncset.done $0x0  }
0x2d: {  	[sflag:s24] =	ssyncadd.s32 $0xFFFFCF00  }
0x2e: {  	[spmem:s23] =	stream.linear.scatter [tilespmem:s9], [sflag:$0xB], $0x3100, $0x38;
	[tilespmem:$0x1A560] =	vst v63  }
0x2f: {  	_ =	swait.ge [sflag:s24], $0x3100  }
0x30: {  	s25 =	simm.s32 $0x19F40;
	[sflag:s24] =	ssyncset.done $0x0  }
0x31: {  	s9 =	simm.s32 $0x0;
	s3 =	rddreg [dreg:$0x9];
	[sflag:s24] =	ssyncadd.s32 $0xFFFFCF00  }
0x32: {  	[tilespmem:s25], [sflag:$0xB] =	stream.linear.gather [hbm4b:s3+s9], $0x620, $0x38;
	[tilespmem:$0x1A560] =	vst v63  }
0x33: {  	_ =	swait.ge [sflag:s24], $0x620  }
0x34: {  	[sflag:s24] =	ssyncset.done $0x0  }
0x35: {  	s28 =	rddreg [dreg:$0xa];
	[sflag:s24] =	ssyncadd.s32 $0xFFFFF9E0  }
0x36: {  	[spmem:s28] =	stream.linear.scatter [tilespmem:s25], [sflag:$0xB], $0x620, $0x38;
	[tilespmem:$0x1A560] =	vst v63  }
0x37: {  	_ =	swait.ge [sflag:s24], $0x620  }
0x38: {  	[sflag:s24] =	ssyncset.done $0x0  }
0x39: {  	s30 =	rddreg [dreg:$0xb];
	[sflag:s24] =	ssyncadd.s32 $0xFFFFF9E0  }
0x3a: {  	[tilespmem:s25], [sflag:$0xB] =	stream.linear.gather [hbm4b:s30+s9], $0x620, $0x38;
	[tilespmem:$0x1A560] =	vst v63  }
0x3b: {  	_ =	swait.ge [sflag:s24], $0x620  }
0x3c: {  	[sflag:s24] =	ssyncset.done $0x0  }
0x3d: {  	s31 =	rddreg [dreg:$0xc];
	[sflag:s24] =	ssyncadd.s32 $0xFFFFF9E0  }
0x3e: {  	[spmem:s31] =	stream.linear.scatter [tilespmem:s25], [sflag:$0xB], $0x620, $0x38;
	[tilespmem:$0x1A560] =	vst v63  }
0x3f: {  	_ =	swait.ge [sflag:s24], $0x620  }
0x40: {  	[sflag:s24] =	ssyncset.done $0x0  }
0x41: {  	[sflag:s24] =	ssyncadd.s32 $0xFFFFF9E0  }
0x42: {  	s10 =	simm.s32 $0x0;
	[bflag:$0x0] =	sbarrier.arrive $0xFFFF  }
.LBB2_4:
0x43: {  	s3 =	smul.u32 $0x48, s10;
	_ =	sdelay $0x1  }
0x44: {  	s3 =	sadd.s32 s17, s3  }
0x45: {  	s4 =	rddreg [dreg:$0x4];
	s3 =	sshll.u32 s3, $0x4  }
0x46: {  	s6 =	sadd.s32 s4, s3  }
0x47: {  	[tilespmem:s26], [sflag:$0xB] =	stream.linear.gather [hbm4b:s6+s9], $0x2400, $0x38;
	[tilespmem:$0x1A560] =	vst v63  }
0x48: {  	_ =	swait.ge [sflag:s24], $0x2400  }
0x49: {  	[sflag:s24] =	ssyncset.done $0x0  }
0x4a: {  	s15 =	simm.s32 $0xF440;
	s13 =	sadd.s32 s5, s3;
	[sflag:s24] =	ssyncadd.s32 $0xFFFFDC00  }
0x4b: {  	[tilespmem:s15], [sflag:$0xB] =	stream.linear.gather [hbm4b:s13+s9], $0x2400, $0x38;
	[tilespmem:$0x1A560] =	vst v63  }
0x4c: {  	_ =	swait.ge [sflag:s24], $0x2400  }
0x4d: {  	[sflag:s24] =	ssyncset.done $0x0  }
0x4e: {  	s11 =	simm.s32 $0x11840;
	s3 =	sadd.s32 s7, s3;
	[sflag:s24] =	ssyncadd.s32 $0xFFFFDC00  }
0x4f: {  	[tilespmem:s11], [sflag:$0xB] =	stream.linear.gather [hbm4b:s3+s9], $0x2400, $0x38;
	[tilespmem:$0x1A560] =	vst v63  }
0x50: {  	_ =	swait.ge [sflag:s24], $0x2400  }
0x51: {  	[sflag:s24] =	ssyncset.done $0x0  }
0x52: {  	s16 =	simm.s32 $0x13C40;
	[sflag:s24] =	ssyncadd.s32 $0xFFFFDC00  }
0x53: {  	[tilespmem:s16], [sflag:$0x1] =	stream.indirect.gather [spmem:s2], $0x1, s26, s29, $0xb8;
	[tilespmem:$0x1A560] =	vst v63  }
0x54: {  	s19 =	simm.s32 $0x13E40  }
0x55: {  	[tilespmem:s19], [sflag:$0x5] =	stream.indirect.gather [hbm4b:s8+s29], $0x10, s26, s29, $0xb8;
	[tilespmem:$0x1A560] =	vst v63  }
0x56: {  	s20 =	simm.s32 $0x13CC0  }
0x57: {  	[tilespmem:s20], [sflag:$0x2] =	stream.indirect.gather [spmem:s2], $0x1, s0, s29, $0xb8;
	[tilespmem:$0x1A560] =	vst v63  }
0x58: {  	s23 =	simm.s32 $0x14640  }
0x59: {  	[tilespmem:s23], [sflag:$0x6] =	stream.indirect.gather [hbm4b:s8+s29], $0x10, s0, s29, $0xb8;
	[tilespmem:$0x1A560] =	vst v63  }
0x5a: {  	s25 =	simm.s32 $0x13D40  }
0x5b: {  	[tilespmem:s25], [sflag:$0x3] =	stream.indirect.gather [spmem:s2], $0x1, s14, s29, $0xb8;
	[tilespmem:$0x1A560] =	vst v63  }
0x5c: {  	s28 =	simm.s32 $0x14E40  }
0x5d: {  	[tilespmem:s28], [sflag:$0x7] =	stream.indirect.gather [hbm4b:s8+s29], $0x10, s14, s29, $0xb8;
	[tilespmem:$0x1A560] =	vst v63  }
0x5e: {  	s30 =	simm.s32 $0x13DC0;
	s31 =	simm.s32 $0x15640  }
0x5f: {  	[tilespmem:s30], [sflag:$0x4] =	stream.indirect.gather [spmem:s2], $0x1, s18, s29, $0xb8;
	[tilespmem:$0x1A560] =	vst v63  }
0x60: {  	p0 =	por $0x0, $0x0;
	s12 =	simm.s32 $0x0;
	s25 =	simm.s32 $0x0  }
0x61: {  	[tilespmem:s31], [sflag:$0x8] =	stream.indirect.gather [hbm4b:s8+s29], $0x10, s18, s29, $0xb8;
	[tilespmem:$0x1A560] =	vst v63  }
.LBB2_5:
0x62: {  	s13 =	sand.u32 $0x3, s25  }
0x63: {  	s23 =	sadd.s32 $0x1, s13  }
0x64: {  	_ =	swait.ge [sflag:s23], $0x80  }
0x65: {  	s6 =	sand.u32 $0x3, s12;
	[sflag:s23] =	ssyncset.done $0x0  }
0x66: {  	s15 =	sshll.u32 s6, $0x7;
	s3 =	sadd.s32 $0x5, s13;
	[sflag:s23] =	ssyncadd.s32 $0xFFFFFF80  }
0x67: {  	s15 =	sor.u32 $0x13C40, s15;
	_ =	swait.ge [sflag:s3], $0x800  }
0x68: {  	s28 =	sand.u32 $0x1, s25;
	p1 =	slt.u32 s25, $0x2;
	v1 =	vmov s15;
	[sflag:s3] =	ssyncset.done $0x0  }
0x69: {  	v2 =	vmov s11;
	s15 =	sadd.s32 @!p1 $0x9, s28;
	[sflag:s3] =	ssyncadd.s32 $0xFFFFF800  }
0x6a: {  	_ =	swait.ge @!p1 [sflag:s15], $0x800  }
0x6b: {  	[sflag:s15] =	ssyncset.done @!p1 $0x0  }
0x6c: {  	s19 =	simm.s32 $0x0;
	[sflag:s15] =	ssyncadd.s32 @!p1 $0xFFFFF800  }
0x6d: {  	v3 =	vld.idx.msk [tilespmem:v1+s19+$0x0 ss:$0x1], $0xffff  }
0x6e: {  	v4 =	vld.idx.msk [tilespmem:v2+s19+$0x0 ss:$0x1], $0xffff;
	_ =	sdelay $0x1  }
0x6f: {  	s6 =	sshll.u32 s6, $0xB  }
0x70: {  	s30 =	sadd.s32 $0x13EC0, s6  }
0x71: {  	v5 =	vld [tilespmem:s30+$0xFFFFFF80]  }
0x72: {  	v3 =	vmul.f32 v4, v3;
	_ =	sdelay $0x1  }
0x73: {  	s6 =	simm.s32 $0x1;
	v4 =	vbroadcast v3, $0x0  }
0x74: {  	s6 =	simm.s32 @!p0 $0x0  }
0x75: {  	s6 =	sshll.u32 s6, $0xB;
	v4 =	vmul.f32 v4, v5  }
0x76: {  	s31 =	sadd.s32 $0x15EC0, s6  }
0x77: {  	[tilespmem:s31+$0xFFFFFF80] =	vst v4  }
0x78: {  	v4 =	vld [tilespmem:s30+$0xFFFFFF90];
	_ =	sdelay $0x2  }
0x79: {  	v5 =	vbroadcast v3, $0x1;
	_ =	sdelay $0x1  }
0x7a: {  	v4 =	vmul.f32 v4, v5;
	_ =	sdelay $0x1  }
0x7b: {  	[tilespmem:s31+$0xFFFFFF90] =	vst v4  }
0x7c: {  	v4 =	vld [tilespmem:s30+$0xFFFFFFA0];
	_ =	sdelay $0x2  }
0x7d: {  	v5 =	vbroadcast v3, $0x2;
	_ =	sdelay $0x1  }
0x7e: {  	v4 =	vmul.f32 v4, v5;
	_ =	sdelay $0x1  }
0x7f: {  	[tilespmem:s31+$0xFFFFFFA0] =	vst v4  }
0x80: {  	v4 =	vld [tilespmem:s30+$0xFFFFFFB0];
	_ =	sdelay $0x2  }
0x81: {  	v5 =	vbroadcast v3, $0x3;
	_ =	sdelay $0x1  }
0x82: {  	v4 =	vmul.f32 v4, v5;
	_ =	sdelay $0x1  }
0x83: {  	[tilespmem:s31+$0xFFFFFFB0] =	vst v4  }
0x84: {  	v4 =	vld [tilespmem:s30+$0xFFFFFFC0];
	_ =	sdelay $0x2  }
0x85: {  	v5 =	vbroadcast v3, $0x4;
	_ =	sdelay $0x1  }
0x86: {  	v4 =	vmul.f32 v4, v5;
	_ =	sdelay $0x1  }
0x87: {  	[tilespmem:s31+$0xFFFFFFC0] =	vst v4  }
0x88: {  	v4 =	vld [tilespmem:s30+$0xFFFFFFD0];
	_ =	sdelay $0x2  }
0x89: {  	v5 =	vbroadcast v3, $0x5;
	_ =	sdelay $0x1  }
0x8a: {  	v4 =	vmul.f32 v4, v5;
	_ =	sdelay $0x1  }
0x8b: {  	[tilespmem:s31+$0xFFFFFFD0] =	vst v4  }
0x8c: {  	v4 =	vld [tilespmem:s30+$0xFFFFFFE0];
	_ =	sdelay $0x2  }
0x8d: {  	v5 =	vbroadcast v3, $0x6;
	_ =	sdelay $0x1  }
0x8e: {  	v4 =	vmul.f32 v4, v5;
	_ =	sdelay $0x1  }
0x8f: {  	[tilespmem:s31+$0xFFFFFFE0] =	vst v4  }
0x90: {  	v4 =	vld [tilespmem:s30+$0xFFFFFFF0];
	_ =	sdelay $0x2  }
0x91: {  	v5 =	vbroadcast v3, $0x7;
	_ =	sdelay $0x1  }
0x92: {  	v4 =	vmul.f32 v4, v5;
	_ =	sdelay $0x1  }
0x93: {  	[tilespmem:s31+$0xFFFFFFF0] =	vst v4  }
0x94: {  	v4 =	vld [tilespmem:s30+$0x0];
	_ =	sdelay $0x2  }
0x95: {  	v5 =	vbroadcast v3, $0x8;
	_ =	sdelay $0x1  }
0x96: {  	v4 =	vmul.f32 v4, v5;
	_ =	sdelay $0x1  }
0x97: {  	[tilespmem:s31+$0x0] =	vst v4  }
0x98: {  	v4 =	vld [tilespmem:s30+$0x10];
	_ =	sdelay $0x2  }
0x99: {  	v5 =	vbroadcast v3, $0x9;
	_ =	sdelay $0x1  }
0x9a: {  	v4 =	vmul.f32 v4, v5;
	_ =	sdelay $0x1  }
0x9b: {  	[tilespmem:s31+$0x10] =	vst v4  }
0x9c: {  	v4 =	vld [tilespmem:s30+$0x20];
	_ =	sdelay $0x2  }
0x9d: {  	v5 =	vbroadcast v3, $0xA;
	_ =	sdelay $0x1  }
0x9e: {  	v4 =	vmul.f32 v4, v5;
	_ =	sdelay $0x1  }
0x9f: {  	[tilespmem:s31+$0x20] =	vst v4  }
0xa0: {  	v4 =	vld [tilespmem:s30+$0x30];
	_ =	sdelay $0x2  }
0xa1: {  	v5 =	vbroadcast v3, $0xB;
	_ =	sdelay $0x1  }
0xa2: {  	v4 =	vmul.f32 v4, v5;
	_ =	sdelay $0x1  }
0xa3: {  	[tilespmem:s31+$0x30] =	vst v4  }
0xa4: {  	v4 =	vld [tilespmem:s30+$0x40];
	_ =	sdelay $0x2  }
0xa5: {  	v5 =	vbroadcast v3, $0xC;
	_ =	sdelay $0x1  }
0xa6: {  	v4 =	vmul.f32 v4, v5;
	_ =	sdelay $0x1  }
0xa7: {  	[tilespmem:s31+$0x40] =	vst v4  }
0xa8: {  	v4 =	vld [tilespmem:s30+$0x50];
	_ =	sdelay $0x2  }
0xa9: {  	v5 =	vbroadcast v3, $0xD;
	_ =	sdelay $0x1  }
0xaa: {  	v4 =	vmul.f32 v4, v5;
	_ =	sdelay $0x1  }
0xab: {  	[tilespmem:s31+$0x50] =	vst v4  }
0xac: {  	v4 =	vld [tilespmem:s30+$0x60];
	_ =	sdelay $0x2  }
0xad: {  	v5 =	vbroadcast v3, $0xE;
	_ =	sdelay $0x1  }
0xae: {  	v4 =	vmul.f32 v4, v5;
	_ =	sdelay $0x1  }
0xaf: {  	[tilespmem:s31+$0x60] =	vst v4  }
0xb0: {  	v4 =	vld [tilespmem:s30+$0x70];
	_ =	sdelay $0x2  }
0xb1: {  	s20 =	sshll.u32 s13, $0x7;
	s13 =	sshll.u32 s13, $0xB;
	s16 =	sshll.u32 s28, $0xB;
	v3 =	vbroadcast v3, $0xF  }
0xb2: {  	s13 =	sadd.s32 $0x13E40, s13;
	s16 =	sadd.s32 $0x15E40, s16;
	s6 =	sor.u32 $0x13C40, s20  }
0xb3: {  	s20 =	smov.u32 s31;
	s15 =	sshll.u32 s25, $0x9;
	s19 =	simm.s32 $0x40;
	v3 =	vmul.f32 v4, v3  }
.LBB2_6:
0xb4: {  	p1 =	sne.s32 s19, $0x1C0;
	s30 =	sadd.s32 $0x100, s30;
	s31 =	sadd.s32 $0x100, s31  }
0xb5: {  	s4 =	sshra.s32 s19, $0x2;
	s19 =	sadd.s32 $0x40, s19;
	[tilespmem:s20+$0x70] =	vst v3;
	s20 =	smov.u32 s31  }
0xb6: {  	v3 =	vld.idx.msk [tilespmem:v1+s4+$0x0 ss:$0x1], $0xffff  }
0xb7: {  	v4 =	vld.idx.msk [tilespmem:v2+s4+$0x0 ss:$0x1], $0xffff;
	_ =	sdelay $0x3  }
0xb8: {  	v5 =	vld [tilespmem:s30+$0xFFFFFF80];
	_ =	sdelay $0x1  }
0xb9: {  	v3 =	vmul.f32 v4, v3;
	_ =	sdelay $0x1  }
0xba: {  	v4 =	vbroadcast v3, $0x0;
	_ =	sdelay $0x1  }
0xbb: {  	v4 =	vmul.f32 v4, v5;
	_ =	sdelay $0x1  }
0xbc: {  	[tilespmem:s31+$0xFFFFFF80] =	vst v4  }
0xbd: {  	v4 =	vld [tilespmem:s30+$0xFFFFFF90];
	_ =	sdelay $0x1  }
0xbe: {  	v5 =	vbroadcast v3, $0x1;
	_ =	sdelay $0x2  }
0xbf: {  	v4 =	vmul.f32 v4, v5;
	_ =	sdelay $0x1  }
0xc0: {  	[tilespmem:s31+$0xFFFFFF90] =	vst v4  }
0xc1: {  	v4 =	vld [tilespmem:s30+$0xFFFFFFA0];
	_ =	sdelay $0x1  }
0xc2: {  	v5 =	vbroadcast v3, $0x2;
	_ =	sdelay $0x2  }
0xc3: {  	v4 =	vmul.f32 v4, v5;
	_ =	sdelay $0x1  }
0xc4: {  	[tilespmem:s31+$0xFFFFFFA0] =	vst v4  }
0xc5: {  	v4 =	vld [tilespmem:s30+$0xFFFFFFB0];
	_ =	sdelay $0x1  }
0xc6: {  	v5 =	vbroadcast v3, $0x3;
	_ =	sdelay $0x2  }
0xc7: {  	v4 =	vmul.f32 v4, v5;
	_ =	sdelay $0x1  }
0xc8: {  	[tilespmem:s31+$0xFFFFFFB0] =	vst v4  }
0xc9: {  	v4 =	vld [tilespmem:s30+$0xFFFFFFC0];
	_ =	sdelay $0x1  }
0xca: {  	v5 =	vbroadcast v3, $0x4;
	_ =	sdelay $0x2  }
0xcb: {  	v4 =	vmul.f32 v4, v5;
	_ =	sdelay $0x1  }
0xcc: {  	[tilespmem:s31+$0xFFFFFFC0] =	vst v4  }
0xcd: {  	v4 =	vld [tilespmem:s30+$0xFFFFFFD0];
	_ =	sdelay $0x1  }
0xce: {  	v5 =	vbroadcast v3, $0x5;
	_ =	sdelay $0x2  }
0xcf: {  	v4 =	vmul.f32 v4, v5;
	_ =	sdelay $0x1  }
0xd0: {  	[tilespmem:s31+$0xFFFFFFD0] =	vst v4  }
0xd1: {  	v4 =	vld [tilespmem:s30+$0xFFFFFFE0];
	_ =	sdelay $0x1  }
0xd2: {  	v5 =	vbroadcast v3, $0x6;
	_ =	sdelay $0x2  }
0xd3: {  	v4 =	vmul.f32 v4, v5;
	_ =	sdelay $0x1  }
0xd4: {  	[tilespmem:s31+$0xFFFFFFE0] =	vst v4  }
0xd5: {  	v4 =	vld [tilespmem:s30+$0xFFFFFFF0];
	_ =	sdelay $0x1  }
0xd6: {  	v5 =	vbroadcast v3, $0x7;
	_ =	sdelay $0x2  }
0xd7: {  	v4 =	vmul.f32 v4, v5;
	_ =	sdelay $0x1  }
0xd8: {  	[tilespmem:s31+$0xFFFFFFF0] =	vst v4  }
0xd9: {  	v4 =	vld [tilespmem:s30+$0x0];
	_ =	sdelay $0x1  }
0xda: {  	v5 =	vbroadcast v3, $0x8;
	_ =	sdelay $0x2  }
0xdb: {  	v4 =	vmul.f32 v4, v5;
	_ =	sdelay $0x1  }
0xdc: {  	[tilespmem:s31+$0x0] =	vst v4  }
0xdd: {  	v4 =	vld [tilespmem:s30+$0x10];
	_ =	sdelay $0x1  }
0xde: {  	v5 =	vbroadcast v3, $0x9;
	_ =	sdelay $0x2  }
0xdf: {  	v4 =	vmul.f32 v4, v5;
	_ =	sdelay $0x1  }
0xe0: {  	[tilespmem:s31+$0x10] =	vst v4  }
0xe1: {  	v4 =	vld [tilespmem:s30+$0x20];
	_ =	sdelay $0x1  }
0xe2: {  	v5 =	vbroadcast v3, $0xA;
	_ =	sdelay $0x2  }
0xe3: {  	v4 =	vmul.f32 v4, v5;
	_ =	sdelay $0x1  }
0xe4: {  	[tilespmem:s31+$0x20] =	vst v4  }
0xe5: {  	v4 =	vld [tilespmem:s30+$0x30];
	_ =	sdelay $0x1  }
0xe6: {  	v5 =	vbroadcast v3, $0xB;
	_ =	sdelay $0x2  }
0xe7: {  	v4 =	vmul.f32 v4, v5;
	_ =	sdelay $0x1  }
0xe8: {  	[tilespmem:s31+$0x30] =	vst v4  }
0xe9: {  	v4 =	vld [tilespmem:s30+$0x40];
	_ =	sdelay $0x1  }
0xea: {  	v5 =	vbroadcast v3, $0xC;
	_ =	sdelay $0x2  }
0xeb: {  	v4 =	vmul.f32 v4, v5;
	_ =	sdelay $0x1  }
0xec: {  	[tilespmem:s31+$0x40] =	vst v4  }
0xed: {  	v4 =	vld [tilespmem:s30+$0x50];
	_ =	sdelay $0x1  }
0xee: {  	v5 =	vbroadcast v3, $0xD;
	_ =	sdelay $0x2  }
0xef: {  	v4 =	vmul.f32 v4, v5;
	_ =	sdelay $0x1  }
0xf0: {  	[tilespmem:s31+$0x50] =	vst v4  }
0xf1: {  	v4 =	vld [tilespmem:s30+$0x60];
	_ =	sdelay $0x1  }
0xf2: {  	v5 =	vbroadcast v3, $0xE;
	_ =	sdelay $0x2  }
0xf3: {  	v4 =	vmul.f32 v4, v5;
	_ =	sdelay $0x1  }
0xf4: {  	[tilespmem:s31+$0x60] =	vst v4  }
0xf5: {  	v4 =	vld [tilespmem:s30+$0x70]  }
.Ltmp1:
0xf6: {  	(pc) =	sbr.rel @p1 .LBB2_6-.Ltmp1, $2  }
0xf7: {  	v3 =	vbroadcast v3, $0xF;
	_ =	sdelay $0x2  }
0xf8: {  	v3 =	vmul.f32 v4, v3  }
0xf9: {  	s4 =	sshrl.u32 s15, $0x2  }
0xfa: {  	s19 =	sadd.s32 $0x9, s28;
	p1 =	sgt.u32 s25, $0x43;
	[tilespmem:s20+$0x70] =	vst v3;
	s4 =	sadd.s32 $0xF440, s4  }
0xfb: {  	[spmem:s1] =	stream.indirect.scatter.add.f32 [tilespmem:s16], [sflag:s19], $0x10, s4, s29, $0xb8;
	[tilespmem:$0x1A560] =	vst v63  }
0xfc: {  	s4 =	sshrl.u32 @!p1 s15, $0x2  }
0xfd: {  	s15 =	simm.s32 @!p1 $0x80;
	s4 =	sadd.s32 @!p1 $0xD240, s4  }
0xfe: {  	[tilespmem:s6], [sflag:s23] =	stream.indirect.gather @!p1 [spmem:s2], $0x1, s4, s15, $0xb8;
	[tilespmem:$0x1A560] =	vst v63  }
0xff: {  	s25 =	sadd.s32 $0x1, s25  }
0x100: {  	[tilespmem:s13], [sflag:s3] =	stream.indirect.gather @!p1 [hbm4b:s8+s15], $0x10, s4, s15, $0xb8;
	[tilespmem:$0x1A560] =	vst v63  }
0x101: {  	p1 =	sne.s32 s25, $0x48  }
.Ltmp2:
0x102: {  	_ = 	snop;
	(pc) =	sbr.rel @p1 .LBB2_5-.Ltmp2, $2  }
0x103: {  	_ =	sdelay $0x2  }
0x104: {  	s12 =	sadd.s32 $0x1, s12;
	s11 =	sadd.s32 $0x80, s11;
	p0 =	por !p0, !p0  }
0x105: {  	s10 =	sadd.s32 $0x1, s10  }
0x106: {  	_ =	swait.ge [sflag:s21], $0x800;
	p0 =	sne.s32 s10, $0x3  }
.Ltmp3:
0x107: {  	[sflag:s21] =	ssyncset.done $0x0;
	(pc) =	sbr.rel @p0 .LBB2_4-.Ltmp3, $4  }
0x108: {  	[sflag:s21] =	ssyncadd.s32 $0xFFFFF800  }
0x109: {  	_ =	swait.ge [sflag:s22], $0x800  }
0x10a: {  	[sflag:s22] =	ssyncset.done $0x0  }
0x10b: {  	[sflag:s22] =	ssyncadd.s32 $0xFFFFF800  }
0x10c: {  	[bflag:$0x0] =	sbarrier.arrive $0xFFFF  }
0x10d: {  	s9 =	simm.s32 $0x16E40;
	s4 =	rddreg [dreg:$0x5]  }
0x10e: {  	[tilespmem:s9], [sflag:$0xB] =	stream.linear.gather [spmem:s4], $0x3100, $0x38;
	[tilespmem:$0x1A560] =	vst v63  }
0x10f: {  	_ =	swait.ge [sflag:s24], $0x3100  }
0x110: {  	[sflag:s24] =	ssyncset.done $0x0  }
0x111: {  	s3 =	simm.s32 $0x0;
	s6 =	rddreg [dreg:$0xd];
	[sflag:s24] =	ssyncadd.s32 $0xFFFFCF00  }
0x112: {  	[hbm4b:s6+s3] =	stream.linear.scatter [tilespmem:s9], [sflag:$0xB], $0x3100, $0x38;
	[tilespmem:$0x1A560] =	vst v63  }
0x113: {  	_ =	swait.ge [sflag:s24], $0x3100  }
0x114: {  	[sflag:s24] =	ssyncset.done $0x0  }
0x115: {  	s19 =	rddreg [dreg:$0x6];
	[sflag:s24] =	ssyncadd.s32 $0xFFFFCF00  }
0x116: {  	[tilespmem:s9], [sflag:$0xB] =	stream.linear.gather [spmem:s19], $0x3100, $0x38;
	[tilespmem:$0x1A560] =	vst v63  }
0x117: {  	_ =	swait.ge [sflag:s24], $0x3100  }
0x118: {  	[sflag:s24] =	ssyncset.done $0x0  }
0x119: {  	s23 =	rddreg [dreg:$0xe];
	[sflag:s24] =	ssyncadd.s32 $0xFFFFCF00  }
0x11a: {  	[hbm4b:s23+s3] =	stream.linear.scatter [tilespmem:s9], [sflag:$0xB], $0x3100, $0x38;
	[tilespmem:$0x1A560] =	vst v63  }
0x11b: {  	_ =	swait.ge [sflag:s24], $0x3100  }
0x11c: {  	[sflag:s24] =	ssyncset.done $0x0  }
0x11d: {  	s20 =	rddreg [dreg:$0x7];
	[sflag:s24] =	ssyncadd.s32 $0xFFFFCF00  }
0x11e: {  	[tilespmem:s9], [sflag:$0xB] =	stream.linear.gather [spmem:s20], $0x3100, $0x38;
	[tilespmem:$0x1A560] =	vst v63  }
0x11f: {  	_ =	swait.ge [sflag:s24], $0x3100  }
0x120: {  	[sflag:s24] =	ssyncset.done $0x0  }
0x121: {  	s25 =	rddreg [dreg:$0xf];
	[sflag:s24] =	ssyncadd.s32 $0xFFFFCF00  }
0x122: {  	[hbm4b:s25+s3] =	stream.linear.scatter [tilespmem:s9], [sflag:$0xB], $0x3100, $0x38;
	[tilespmem:$0x1A560] =	vst v63  }
0x123: {  	_ =	swait.ge [sflag:s24], $0x3100  }
0x124: {  	[sflag:s24] =	ssyncset.done $0x0  }
0x125: {  	s23 =	rddreg [dreg:$0x8];
	[sflag:s24] =	ssyncadd.s32 $0xFFFFCF00  }
0x126: {  	[tilespmem:s9], [sflag:$0xB] =	stream.linear.gather [spmem:s23], $0x3100, $0x38;
	[tilespmem:$0x1A560] =	vst v63  }
0x127: {  	_ =	swait.ge [sflag:s24], $0x3100  }
0x128: {  	[sflag:s24] =	ssyncset.done $0x0  }
0x129: {  	s28 =	rddreg [dreg:$0x10];
	[sflag:s24] =	ssyncadd.s32 $0xFFFFCF00  }
0x12a: {  	[hbm4b:s28+s3] =	stream.linear.scatter [tilespmem:s9], [sflag:$0xB], $0x3100, $0x38;
	[tilespmem:$0x1A560] =	vst v63  }
0x12b: {  	_ =	swait.ge [sflag:s24], $0x3100  }
0x12c: {  	s30 =	rddreg [dreg:$0x12]  }
0x12d: {  	s31 =	rddreg [dreg:$0x11];
	s6 =	sadd.s32 $0x1, s30  }
0x12e: {  	p0 =	sne.s32 s6, s31  }
.Ltmp4:
0x12f: {  	_ = 	snop;
	(pc) =	sbr.rel @p0 .LBB2_1-.Ltmp4, $3  }
0x130: {  	_ =	sdelay $0x1  }
0x131: {  	[sflag:s24] =	ssyncset.done $0x0  }
0x132: {  	[sflag:s24] =	ssyncadd.s32 $0xFFFFCF00  }
0x133: {  	_ =	sfence.sel $0x180000  }
0x134: {  	[bflag:$0x0] =	sbarrier.arrive $0xFFFF  }
0x135: {  	_ =	strace $0x9000004A  }
0x136: {  	s0 =	stileid.u32;
	[bflag:$0x2] =	sbarrier.arrive $0xFFFF  }
0x137: {  	p0 =	sne.s32 s0, $0x0;
	s0 =	rddreg [dreg:$0x3]  }
0x138: {  	s0 =	sadd.s32 @!p0 $0x100000, s0  }
0x139: {  	[sflag:s0] =	ssyncadd.tile.s32 @!p0 $0x1;
	_ =	shalt  }
.Lfunc_end2:
_tile_overlayer_lowered:
.L_overlay_start_2:
0x13a: {  	(tag) =	ssettag $0x2  }
0x13b: {  	s0 =	rddreg [dreg:$0x0];
	s2 =	stileid.u32  }
0x13c: {  	s1 =	rddreg [dreg:$0x1];
	p0 =	sne.s32 s2, $0x0  }
0x13d: {  	s3 =	rddreg [dreg:$0x2];
	[bflag:$0x3] =	sbarrier.arrive $0xFFFF;
	s2 =	simm.s32 @!p0 $0x1C0B  }
0x13e: {  	[timem:s3], [sflag:s2] =	dma.local @!p0 [hbm:s0], s1  }
0x13f: {  	s0 =	simm.s32 @!p0 $0xB  }
0x140: {  	_ =	swait.ge @!p0 [sflag:s0], s1  }
0x141: {  	s1 =	ssub.s32 @!p0 $0x0, s1;
	[sflag:s0] =	ssyncset.done @!p0 $0x0  }
0x142: {  	[sflag:s0] =	ssyncadd.s32 @!p0 s1  }
0x143: {  	[bflag:$0x3] =	sbarrier.arrive $0xFFFF  }
0x144: {  	_ =	shalt  }

</sc_bundles>
